<compile_context>
chip_gen: v7x
topology: tpu7x:2x2x1
jax: 0.10.2.dev20260603
libtpu: 0.0.44.dev20260713+nightly
codegen_flags: <defaults>
</compile_context>

<pallas_src>
import jax
import jax.numpy as jnp
from jax.experimental import pallas as pl
from jax.experimental.pallas import tpu as pltpu
from jax.experimental.pallas import tpu_sc as plsc

_K = 8192
_H = 256
_TM = 512
_TN = 1024
_BETA = 0.25
_GW = 128
_GROUPS = 2


def _argmin_body(z_ref, e_ref, idx_ref, bd_ref, e2_ref):
    n_chunks = _K // _TN

    @pl.when(pl.program_id(0) == 0)
    def _():
        e = e_ref[...]
        e2_ref[...] = jnp.sum(e * e, axis=1, keepdims=True).reshape(1, _K)

    z = z_ref[...]
    z2 = jnp.sum(z * z, axis=1, keepdims=True)
    zm2 = z * (-2.0)
    colf = jax.lax.broadcasted_iota(jnp.int32, (1, _TN), 1).astype(jnp.float32)
    bigf = jnp.float32(1e9)

    def mm(j):
        ec = e_ref[j * _TN:(j + 1) * _TN, :]
        return jax.lax.dot_general(
            zm2, ec, (((1,), (1,)), ((), ())),
            preferred_element_type=jnp.float32)

    pv = None
    pc = None
    pm2 = mm(0)
    for j in range(n_chunks):
        pm2_cur = pm2
        if j + 1 < n_chunks:
            pm2 = mm(j + 1)
        e2c = e2_ref[:, j * _TN:(j + 1) * _TN]
        dist = e2c + pm2_cur
        if j == 0:
            pv = dist
            pc = jnp.zeros((_TM, _TN), jnp.float32)
        else:
            pc = jnp.where(dist < pv, jnp.float32(j), pc)
            pv = jnp.minimum(pv, dist)

    cmin = jnp.min(pv, axis=1, keepdims=True)
    sel = jnp.where(pv == cmin, pc * _TN + colf, bigf)
    gidx = jnp.min(sel, axis=1, keepdims=True)
    idx_ref[...] = gidx.astype(jnp.int32).reshape(1, 1, _TM)
    bd_ref[...] = (z2 + cmin).reshape(1, 1, _TM)


def _argmin_call(zf, emb):
    n_tiles = zf.shape[0] // _TM
    return pl.pallas_call(
        _argmin_body,
        grid=(n_tiles,),
        in_specs=[
            pl.BlockSpec((_TM, _H), lambda i: (i, 0)),
            pl.BlockSpec((_K, _H), lambda i: (0, 0)),
        ],
        out_specs=[
            pl.BlockSpec((1, 1, _TM), lambda i: (i, 0, 0)),
            pl.BlockSpec((1, 1, _TM), lambda i: (i, 0, 0)),
        ],
        out_shape=[
            jax.ShapeDtypeStruct((n_tiles, 1, _TM), jnp.int32),
            jax.ShapeDtypeStruct((n_tiles, 1, _TM), jnp.float32),
        ],
        scratch_shapes=[pltpu.VMEM((1, _K), jnp.float32)],
    )(zf, emb)


def _sc_gather(emb, idx3):
    n_tiles = idx3.shape[0]
    n = n_tiles * _TM
    wins_per_tile = _TM // _GW
    mesh = plsc.VectorSubcoreMesh(core_axis_name="core",
                                  subcore_axis_name="subcore")

    @pl.kernel(out_type=jax.ShapeDtypeStruct((n, _H), emb.dtype), mesh=mesh)
    def k(emb_hbm, i_hbm, o_hbm):
        def body(i_vmem, o_vmem):
            pltpu.sync_copy(emb_hbm.at[i_vmem.at[0, 0]], o_vmem)

        pltpu.emit_pipeline(
            body,
            grid=(n // _GW,),
            in_specs=[pl.BlockSpec(
                (1, 1, _GW),
                index_map=lambda i: (i // wins_per_tile, 0, i % wins_per_tile))],
            out_specs=[pl.BlockSpec((_GW, _H), index_map=lambda i: (i, 0))],
            core_axis_name=("core", "subcore"),
            dimension_semantics=(pltpu.PARALLEL,),
        )(i_hbm, o_hbm)

    return k(emb, idx3)


def kernel(z_e, embedding):
    zf = z_e.reshape(-1, _H)
    idx, bd = _argmin_call(zf, embedding)
    z_q = _sc_gather(embedding, idx).reshape(z_e.shape)
    loss = (1.0 + _BETA) * (jnp.sum(bd) / zf.size)
    return z_q, loss

# --- scband reference (transcript-rebuilt; emitter-appended) ---
"""Pipeline reference for scband-veector-quantizer-59373627900326 (READ-ONLY COPY).

The authoritative reference and input builder live on the scoring server;
editing this copy changes nothing except your own understanding.
"""

import jax, jax.numpy as jnp
import numpy as np

K = 8192
HIDDEN = 256
BETA = 0.25


def setup_inputs(seed: int = 0) -> dict:
    key = jax.random.key(seed)
    k1, k2 = jax.random.split(key)
    z_e = jax.random.normal(k1, (8, 1024, 256), dtype=jnp.float32)
    embedding = jax.random.uniform(k2, (K, HIDDEN), dtype=jnp.float32)
    return {"z_e": z_e, "embedding": embedding}


def reference(z_e, embedding):
    z_e_flattened = z_e.reshape(-1, HIDDEN)
    distance = (
        jnp.sum(z_e_flattened ** 2, axis=1, keepdims=True)
        + jnp.sum(embedding ** 2, axis=1)
        - 2 * jnp.dot(z_e_flattened, embedding.T)
    )
    embedding_indicies = jnp.argmin(distance, axis=1)
    one_hot = jax.nn.one_hot(embedding_indicies, num_classes=K)
    z_q = jnp.dot(one_hot, embedding).reshape(z_e.shape)
    vq_loss = jnp.mean((jax.lax.stop_gradient(z_q) - z_e) ** 2)
    commitment_loss = jnp.mean((z_e - jax.lax.stop_gradient(z_q)) ** 2)
    loss = vq_loss + BETA * commitment_loss
    z_q = z_e + jax.lax.stop_gradient(z_q - z_e)
    return (z_q, loss)

if __name__ == "__main__":
    import jax
    _d = setup_inputs()
    print(jax.jit(kernel)(*tuple(_d.values())))

</pallas_src>

<mosaic_0001>
#map = affine_map<(d0, d1) -> (0, 0)>
#map1 = affine_map<(d0, d1) -> (0, 0, 0)>
module attributes {stable_mosaic.version = 14 : i64} {
  func.func @k(%arg0: i32, %arg1: i32, %arg2: memref<8192x256xf32, #tpu.memory_space<hbm>>, %arg3: memref<16x1x512xi32, #tpu.memory_space<hbm>>, %arg4: memref<8192x256xf32, #tpu.memory_space<hbm>>) attributes {dimension_semantics = [#tpu.dimension_semantics<core_parallel>, #tpu.dimension_semantics<subcore_parallel>], iteration_bounds = array<i64: 2, 16>, scalar_prefetch = 0 : i64, scratch_operands = 0 : i64, tpu.core_type = #tpu.core_type<sc_vector_subcore>, window_params = [{transform_indices = #map}, {transform_indices = #map1}, {transform_indices = #map}]} {
    %mul3A = arith.constant 1 : i32
    %mul3A_0 = arith.muli %arg1, %mul3A : i32
    %add3A = arith.constant 0 : i32
    %add3A_1 = arith.addi %add3A, %mul3A_0 : i32
    %mul3A_2 = arith.constant 16 : i32
    %mul3A_3 = arith.muli %arg0, %mul3A_2 : i32
    %add3A_4 = arith.addi %add3A_1, %mul3A_3 : i32
    %mul3A_5 = arith.constant 2 : i32
    %mul3A_6 = arith.muli %add3A_4, %mul3A_5 : i32
    "tpu.region"() ({
      %run_scoped3A = memref.alloca() : memref<2x1x1x128xi32, #tpu.memory_space<vmem>>
      %run_scoped3A_7 = tpu.sem_alloc : memref<2x!tpu.dma_semaphore, #tpu.memory_space<semaphore_mem>>
      %run_scoped3A_8 = memref.alloca() : memref<2x128x256xf32, #tpu.memory_space<vmem>>
      %run_scoped3A_9 = tpu.sem_alloc : memref<2x!tpu.dma_semaphore, #tpu.memory_space<semaphore_mem>>
      %add3A_10 = arith.constant 0 : i32
      %add3A_11 = arith.addi %add3A_10, %mul3A_6 : i32
      %select_n3A = arith.constant true
      %select_n3A_12 = arith.constant 0 : i32
      %select_n3A_13 = arith.constant -1 : i32
      %select_n3A_14 = arith.select %select_n3A, %select_n3A_13, %select_n3A_12 : i32
      %eq3A = arith.constant -1 : i32
      %eq3A_15 = arith.cmpi eq, %select_n3A_14, %eq3A : i32
      %select_n3A_16 = arith.constant 1 : i32
      %select_n3A_17 = arith.select %eq3A_15, %select_n3A_16, %select_n3A_14 : i32
      %add3A_18 = arith.addi %select_n3A_17, %mul3A_6 : i32
      %select_n3A_19 = arith.constant true
      %select_n3A_20 = arith.constant 0 : i32
      %select_n3A_21 = arith.constant 1 : i32
      %select_n3A_22 = arith.select %select_n3A_19, %select_n3A_21, %select_n3A_20 : i32
      %eq3A_23 = arith.constant 2 : i32
      %eq3A_24 = arith.cmpi eq, %select_n3A_22, %eq3A_23 : i32
      %select_n3A_25 = arith.constant 0 : i32
      %select_n3A_26 = arith.select %eq3A_24, %select_n3A_25, %select_n3A_22 : i32
      %add3A_27 = arith.addi %select_n3A_26, %mul3A_6 : i32
      %add3A_28 = arith.constant 1 : i32
      %add3A_29 = arith.addi %select_n3A_26, %add3A_28 : i32
      %select_n3A_30 = arith.constant true
      %select_n3A_31 = arith.select %select_n3A_30, %add3A_29, %select_n3A_26 : i32
      %eq3A_32 = arith.constant 2 : i32
      %eq3A_33 = arith.cmpi eq, %select_n3A_31, %eq3A_32 : i32
      %select_n3A_34 = arith.constant 0 : i32
      %select_n3A_35 = arith.select %eq3A_33, %select_n3A_34, %select_n3A_31 : i32
      %add3A_36 = arith.addi %select_n3A_35, %mul3A_6 : i32
      "tpu.trace_start"() <{level = 10 : i32, message = "ep_initialize_0"}> : () -> ()
      %rem3A = arith.constant 0 : i32
      %rem3A_37 = arith.constant 2 : i32
      %rem3A_38 = arith.remui %rem3A, %rem3A_37 : i32
      %jit3A = arith.constant 4 : i32
      %div3A = arith.divsi %add3A_11, %jit3A : i32
      %sign3A = arith.constant 0 : i32
      %sign3A_39 = arith.cmpi sgt, %add3A_11, %sign3A : i32
      %sign3A_40 = arith.extui %sign3A_39 : i1 to i32
      %sign3A_41 = arith.constant 0 : i32
      %sign3A_42 = arith.cmpi slt, %add3A_11, %sign3A_41 : i32
      %sign3A_43 = arith.extui %sign3A_42 : i1 to i32
      %sign3A_44 = arith.subi %sign3A_40, %sign3A_43 : i32
      %sign3A_45 = arith.constant 0 : i32
      %sign3A_46 = arith.cmpi sgt, %jit3A, %sign3A_45 : i32
      %sign3A_47 = arith.extui %sign3A_46 : i1 to i32
      %sign3A_48 = arith.constant 0 : i32
      %sign3A_49 = arith.cmpi slt, %jit3A, %sign3A_48 : i32
      %sign3A_50 = arith.extui %sign3A_49 : i1 to i32
      %sign3A_51 = arith.subi %sign3A_47, %sign3A_50 : i32
      %ne3A = arith.cmpi ne, %sign3A_44, %sign3A_51 : i32
      %rem3A_52 = arith.remsi %add3A_11, %jit3A : i32
      %ne3A_53 = arith.constant 0 : i32
      %ne3A_54 = arith.cmpi ne, %rem3A_52, %ne3A_53 : i32
      %and3A = arith.andi %ne3A, %ne3A_54 : i1
      %sub3A = arith.constant 1 : i32
      %sub3A_55 = arith.subi %div3A, %sub3A : i32
      %select_n3A_56 = arith.select %and3A, %sub3A_55, %div3A : i32
      %jit3A_57 = arith.constant 4 : i32
      %eq3A_58 = arith.constant 0 : i32
      %eq3A_59 = arith.cmpi eq, %jit3A_57, %eq3A_58 : i32
      %jit3A_60 = arith.constant 1 : i32
      %select_n3A_61 = arith.select %eq3A_59, %jit3A_60, %jit3A_57 : i32
      %rem3A_62 = arith.remsi %add3A_11, %select_n3A_61 : i32
      %ne3A_63 = arith.constant 0 : i32
      %ne3A_64 = arith.cmpi ne, %rem3A_62, %ne3A_63 : i32
      %lt3A = arith.constant 0 : i32
      %lt3A_65 = arith.cmpi slt, %rem3A_62, %lt3A : i32
      %lt3A_66 = arith.constant 0 : i32
      %lt3A_67 = arith.cmpi slt, %select_n3A_61, %lt3A_66 : i32
      %ne3A_68 = arith.xori %lt3A_65, %lt3A_67 : i1
      %and3A_69 = arith.andi %ne3A_68, %ne3A_64 : i1
      %add3A_70 = arith.addi %rem3A_62, %select_n3A_61 : i32
      %select_n3A_71 = arith.select %and3A_69, %add3A_70, %rem3A_62 : i32
      %mul3A_72 = arith.constant 1 : i32
      %mul3A_73 = arith.muli %mul3A_72, %select_n3A_56 : i32
      %mul3A_74 = arith.constant 128 : i32
      %mul3A_75 = arith.muli %mul3A_74, %select_n3A_71 : i32
      %dma_start3A = arith.constant 0 : i32
      %dma_start3A_76 = arith.constant 0 : i32
      %dma_start3A_77 = arith.constant 0 : i32
      %dma_start3A_78 = tpu.memref_slice %run_scoped3A[%rem3A_38, %dma_start3A, %dma_start3A_76, %dma_start3A_77] : memref<2x1x1x128xi32, #tpu.memory_space<vmem>> -> memref<1x1x1x128xi32, #tpu.memory_space<vmem>>
      %dma_start3A_79 = tpu.memref_squeeze %dma_start3A_78 : memref<1x1x1x128xi32, #tpu.memory_space<vmem>> -> memref<1x1x128xi32, #tpu.memory_space<vmem>>
      %dma_start3A_80 = arith.constant 0 : i32
      %dma_start3A_81 = tpu.memref_slice %arg3[%mul3A_73, %dma_start3A_80, %mul3A_75] : memref<16x1x512xi32, #tpu.memory_space<hbm>> -> memref<1x1x128xi32, #tpu.memory_space<hbm>>
      %dma_start3A_82 = tpu.memref_slice %run_scoped3A_7[%rem3A_38] : memref<2x!tpu.dma_semaphore, #tpu.memory_space<semaphore_mem>> -> memref<1x!tpu.dma_semaphore, #tpu.memory_space<semaphore_mem>>
      %dma_start3A_83 = tpu.memref_squeeze %dma_start3A_82 : memref<1x!tpu.dma_semaphore, #tpu.memory_space<semaphore_mem>> -> memref<!tpu.dma_semaphore, #tpu.memory_space<semaphore_mem>>
      %dma_start3A_84 = arith.constant 0 : i32
      %dma_start3A_85 = arith.constant 0 : i32
      %dma_start3A_86 = arith.constant 0 : i32
      %dma_start3A_87 = tpu.memref_slice %run_scoped3A[%rem3A_38, %dma_start3A_84, %dma_start3A_85, %dma_start3A_86] : memref<2x1x1x128xi32, #tpu.memory_space<vmem>> -> memref<1x1x1x128xi32, #tpu.memory_space<vmem>>
      %dma_start3A_88 = tpu.memref_squeeze %dma_start3A_87 : memref<1x1x1x128xi32, #tpu.memory_space<vmem>> -> memref<1x1x128xi32, #tpu.memory_space<vmem>>
      %dma_start3A_89 = arith.constant 0 : i32
      %dma_start3A_90 = tpu.memref_slice %arg3[%mul3A_73, %dma_start3A_89, %mul3A_75] : memref<16x1x512xi32, #tpu.memory_space<hbm>> -> memref<1x1x128xi32, #tpu.memory_space<hbm>>
      tpu.enqueue_dma source(%dma_start3A_90 : memref<1x1x128xi32, #tpu.memory_space<hbm>>) target(%dma_start3A_88 : memref<1x1x128xi32, #tpu.memory_space<vmem>>) target_semaphore(%dma_start3A_83 : memref<!tpu.dma_semaphore, #tpu.memory_space<semaphore_mem>>)
      %add3A_91 = arith.constant 0 : i32
      %add3A_92 = arith.constant 1 : i32
      %add3A_93 = arith.addi %add3A_91, %add3A_92 : i32
      %select_n3A_94 = arith.constant true
      %select_n3A_95 = arith.constant 0 : i32
      %select_n3A_96 = arith.select %select_n3A_94, %add3A_93, %select_n3A_95 : i32
      "tpu.trace_stop"() : () -> ()
      %scan3A = arith.constant 0 : i32
      %scan3A_97 = arith.constant 0 : i32
      %scan3A_98 = arith.constant 0 : i32
      %scan3A_99 = arith.constant 0 : i32
      %scan3A_100 = arith.constant 0 : i32
      %scan3A_101 = arith.constant 2 : i32
      %scan3A_102 = arith.addi %scan3A_100, %scan3A_101 : i32
      %scan3A_103 = arith.constant 1 : i32
      %scan3A_104:5 = scf.for %scan3A_159 = %scan3A_100 to %scan3A_102 step %scan3A_103 iter_args(%scan3A_160 = %select_n3A_96, %scan3A_161 = %scan3A, %scan3A_162 = %scan3A_97, %scan3A_163 = %scan3A_98, %scan3A_164 = %scan3A_99) -> (i32, i32, i32, i32, i32)  : i32 {
        %eq3A_165 = arith.constant 0 : i32
        %eq3A_166 = arith.cmpi eq, %scan3A_159, %eq3A_165 : i32
        %eq3A_167 = arith.constant 1 : i32
        %eq3A_168 = arith.cmpi eq, %scan3A_159, %eq3A_167 : i32
        %add3A_169 = arith.addi %scan3A_164, %mul3A_6 : i32
        %sub3A_170 = arith.constant 1 : i32
        %sub3A_171 = arith.subi %scan3A_164, %sub3A_170 : i32
        %select_n3A_172 = arith.constant true
        %select_n3A_173 = arith.select %select_n3A_172, %sub3A_171, %scan3A_164 : i32
        %eq3A_174 = arith.constant -1 : i32
        %eq3A_175 = arith.cmpi eq, %select_n3A_173, %eq3A_174 : i32
        %select_n3A_176 = arith.constant 1 : i32
        %select_n3A_177 = arith.select %eq3A_175, %select_n3A_176, %select_n3A_173 : i32
        %add3A_178 = arith.addi %select_n3A_177, %mul3A_6 : i32
        %add3A_179 = arith.constant 1 : i32
        %add3A_180 = arith.addi %scan3A_164, %add3A_179 : i32
        %select_n3A_181 = arith.constant true
        %select_n3A_182 = arith.select %select_n3A_181, %add3A_180, %scan3A_164 : i32
        %eq3A_183 = arith.constant 2 : i32
        %eq3A_184 = arith.cmpi eq, %select_n3A_182, %eq3A_183 : i32
        %select_n3A_185 = arith.constant 0 : i32
        %select_n3A_186 = arith.select %eq3A_184, %select_n3A_185, %select_n3A_182 : i32
        %add3A_187 = arith.addi %select_n3A_186, %mul3A_6 : i32
        %add3A_188 = arith.constant 1 : i32
        %add3A_189 = arith.addi %select_n3A_186, %add3A_188 : i32
        %select_n3A_190 = arith.constant true
        %select_n3A_191 = arith.select %select_n3A_190, %add3A_189, %select_n3A_186 : i32
        %eq3A_192 = arith.constant 2 : i32
        %eq3A_193 = arith.cmpi eq, %select_n3A_191, %eq3A_192 : i32
        %select_n3A_194 = arith.constant 0 : i32
        %select_n3A_195 = arith.select %eq3A_193, %select_n3A_194, %select_n3A_191 : i32
        %add3A_196 = arith.addi %select_n3A_195, %mul3A_6 : i32
        %jit3A_197 = arith.constant 4 : i32
        %div3A_198 = arith.divsi %add3A_169, %jit3A_197 : i32
        %sign3A_199 = arith.constant 0 : i32
        %sign3A_200 = arith.cmpi sgt, %add3A_169, %sign3A_199 : i32
        %sign3A_201 = arith.extui %sign3A_200 : i1 to i32
        %sign3A_202 = arith.constant 0 : i32
        %sign3A_203 = arith.cmpi slt, %add3A_169, %sign3A_202 : i32
        %sign3A_204 = arith.extui %sign3A_203 : i1 to i32
        %sign3A_205 = arith.subi %sign3A_201, %sign3A_204 : i32
        %sign3A_206 = arith.constant 0 : i32
        %sign3A_207 = arith.cmpi sgt, %jit3A_197, %sign3A_206 : i32
        %sign3A_208 = arith.extui %sign3A_207 : i1 to i32
        %sign3A_209 = arith.constant 0 : i32
        %sign3A_210 = arith.cmpi slt, %jit3A_197, %sign3A_209 : i32
        %sign3A_211 = arith.extui %sign3A_210 : i1 to i32
        %sign3A_212 = arith.subi %sign3A_208, %sign3A_211 : i32
        %ne3A_213 = arith.cmpi ne, %sign3A_205, %sign3A_212 : i32
        %rem3A_214 = arith.remsi %add3A_169, %jit3A_197 : i32
        %ne3A_215 = arith.constant 0 : i32
        %ne3A_216 = arith.cmpi ne, %rem3A_214, %ne3A_215 : i32
        %and3A_217 = arith.andi %ne3A_213, %ne3A_216 : i1
        %sub3A_218 = arith.constant 1 : i32
        %sub3A_219 = arith.subi %div3A_198, %sub3A_218 : i32
        %select_n3A_220 = arith.select %and3A_217, %sub3A_219, %div3A_198 : i32
        %jit3A_221 = arith.constant 4 : i32
        %eq3A_222 = arith.constant 0 : i32
        %eq3A_223 = arith.cmpi eq, %jit3A_221, %eq3A_222 : i32
        %jit3A_224 = arith.constant 1 : i32
        %select_n3A_225 = arith.select %eq3A_223, %jit3A_224, %jit3A_221 : i32
        %rem3A_226 = arith.remsi %add3A_169, %select_n3A_225 : i32
        %ne3A_227 = arith.constant 0 : i32
        %ne3A_228 = arith.cmpi ne, %rem3A_226, %ne3A_227 : i32
        %lt3A_229 = arith.constant 0 : i32
        %lt3A_230 = arith.cmpi slt, %rem3A_226, %lt3A_229 : i32
        %lt3A_231 = arith.constant 0 : i32
        %lt3A_232 = arith.cmpi slt, %select_n3A_225, %lt3A_231 : i32
        %ne3A_233 = arith.xori %lt3A_230, %lt3A_232 : i1
        %and3A_234 = arith.andi %ne3A_233, %ne3A_228 : i1
        %add3A_235 = arith.addi %rem3A_226, %select_n3A_225 : i32
        %select_n3A_236 = arith.select %and3A_234, %add3A_235, %rem3A_226 : i32
        %jit3A_237 = arith.constant 4 : i32
        %div3A_238 = arith.divsi %add3A_187, %jit3A_237 : i32
        %sign3A_239 = arith.constant 0 : i32
        %sign3A_240 = arith.cmpi sgt, %add3A_187, %sign3A_239 : i32
        %sign3A_241 = arith.extui %sign3A_240 : i1 to i32
        %sign3A_242 = arith.constant 0 : i32
        %sign3A_243 = arith.cmpi slt, %add3A_187, %sign3A_242 : i32
        %sign3A_244 = arith.extui %sign3A_243 : i1 to i32
        %sign3A_245 = arith.subi %sign3A_241, %sign3A_244 : i32
        %sign3A_246 = arith.constant 0 : i32
        %sign3A_247 = arith.cmpi sgt, %jit3A_237, %sign3A_246 : i32
        %sign3A_248 = arith.extui %sign3A_247 : i1 to i32
        %sign3A_249 = arith.constant 0 : i32
        %sign3A_250 = arith.cmpi slt, %jit3A_237, %sign3A_249 : i32
        %sign3A_251 = arith.extui %sign3A_250 : i1 to i32
        %sign3A_252 = arith.subi %sign3A_248, %sign3A_251 : i32
        %ne3A_253 = arith.cmpi ne, %sign3A_245, %sign3A_252 : i32
        %rem3A_254 = arith.remsi %add3A_187, %jit3A_237 : i32
        %ne3A_255 = arith.constant 0 : i32
        %ne3A_256 = arith.cmpi ne, %rem3A_254, %ne3A_255 : i32
        %and3A_257 = arith.andi %ne3A_253, %ne3A_256 : i1
        %sub3A_258 = arith.constant 1 : i32
        %sub3A_259 = arith.subi %div3A_238, %sub3A_258 : i32
        %select_n3A_260 = arith.select %and3A_257, %sub3A_259, %div3A_238 : i32
        %jit3A_261 = arith.constant 4 : i32
        %eq3A_262 = arith.constant 0 : i32
        %eq3A_263 = arith.cmpi eq, %jit3A_261, %eq3A_262 : i32
        %jit3A_264 = arith.constant 1 : i32
        %select_n3A_265 = arith.select %eq3A_263, %jit3A_264, %jit3A_261 : i32
        %rem3A_266 = arith.remsi %add3A_187, %select_n3A_265 : i32
        %ne3A_267 = arith.constant 0 : i32
        %ne3A_268 = arith.cmpi ne, %rem3A_266, %ne3A_267 : i32
        %lt3A_269 = arith.constant 0 : i32
        %lt3A_270 = arith.cmpi slt, %rem3A_266, %lt3A_269 : i32
        %lt3A_271 = arith.constant 0 : i32
        %lt3A_272 = arith.cmpi slt, %select_n3A_265, %lt3A_271 : i32
        %ne3A_273 = arith.xori %lt3A_270, %lt3A_272 : i1
        %and3A_274 = arith.andi %ne3A_273, %ne3A_268 : i1
        %add3A_275 = arith.addi %rem3A_266, %select_n3A_265 : i32
        %select_n3A_276 = arith.select %and3A_274, %add3A_275, %rem3A_266 : i32
        %ne3A_277 = arith.cmpi ne, %select_n3A_220, %select_n3A_260 : i32
        %ne3A_278 = arith.cmpi ne, %select_n3A_236, %select_n3A_276 : i32
        %or3A = arith.constant false
        %or3A_279 = arith.ori %or3A, %ne3A_277 : i1
        %or3A_280 = arith.constant false
        %or3A_281 = arith.ori %or3A_279, %or3A_280 : i1
        %or3A_282 = arith.ori %or3A_281, %ne3A_278 : i1
        %ge3A = arith.constant 1 : i32
        %ge3A_283 = arith.cmpi sge, %scan3A_159, %ge3A : i32
        %not3A = arith.constant true
        %not3A_284 = arith.xori %ge3A_283, %not3A : i1
        %and3A_285 = arith.andi %or3A_282, %not3A_284 : i1
        %convert_element_type3A = arith.extui %and3A_285 : i1 to i32
        %cond3A = arith.constant 0 : i32
        %cond3A_286 = arith.cmpi ne, %convert_element_type3A, %cond3A : i32
        scf.if %cond3A_286 {
          "tpu.trace_start"() <{level = 10 : i32, message = "ep_copy_in"}> : () -> ()
          %rem3A_725 = arith.constant 2 : i32
          %rem3A_726 = arith.remui %scan3A_160, %rem3A_725 : i32
          %jit3A_727 = arith.constant 4 : i32
          %div3A_728 = arith.divsi %add3A_187, %jit3A_727 : i32
          %sign3A_729 = arith.constant 0 : i32
          %sign3A_730 = arith.cmpi sgt, %add3A_187, %sign3A_729 : i32
          %sign3A_731 = arith.extui %sign3A_730 : i1 to i32
          %sign3A_732 = arith.constant 0 : i32
          %sign3A_733 = arith.cmpi slt, %add3A_187, %sign3A_732 : i32
          %sign3A_734 = arith.extui %sign3A_733 : i1 to i32
          %sign3A_735 = arith.subi %sign3A_731, %sign3A_734 : i32
          %sign3A_736 = arith.constant 0 : i32
          %sign3A_737 = arith.cmpi sgt, %jit3A_727, %sign3A_736 : i32
          %sign3A_738 = arith.extui %sign3A_737 : i1 to i32
          %sign3A_739 = arith.constant 0 : i32
          %sign3A_740 = arith.cmpi slt, %jit3A_727, %sign3A_739 : i32
          %sign3A_741 = arith.extui %sign3A_740 : i1 to i32
          %sign3A_742 = arith.subi %sign3A_738, %sign3A_741 : i32
          %ne3A_743 = arith.cmpi ne, %sign3A_735, %sign3A_742 : i32
          %rem3A_744 = arith.remsi %add3A_187, %jit3A_727 : i32
          %ne3A_745 = arith.constant 0 : i32
          %ne3A_746 = arith.cmpi ne, %rem3A_744, %ne3A_745 : i32
          %and3A_747 = arith.andi %ne3A_743, %ne3A_746 : i1
          %sub3A_748 = arith.constant 1 : i32
          %sub3A_749 = arith.subi %div3A_728, %sub3A_748 : i32
          %select_n3A_750 = arith.select %and3A_747, %sub3A_749, %div3A_728 : i32
          %jit3A_751 = arith.constant 4 : i32
          %eq3A_752 = arith.constant 0 : i32
          %eq3A_753 = arith.cmpi eq, %jit3A_751, %eq3A_752 : i32
          %jit3A_754 = arith.constant 1 : i32
          %select_n3A_755 = arith.select %eq3A_753, %jit3A_754, %jit3A_751 : i32
          %rem3A_756 = arith.remsi %add3A_187, %select_n3A_755 : i32
          %ne3A_757 = arith.constant 0 : i32
          %ne3A_758 = arith.cmpi ne, %rem3A_756, %ne3A_757 : i32
          %lt3A_759 = arith.constant 0 : i32
          %lt3A_760 = arith.cmpi slt, %rem3A_756, %lt3A_759 : i32
          %lt3A_761 = arith.constant 0 : i32
          %lt3A_762 = arith.cmpi slt, %select_n3A_755, %lt3A_761 : i32
          %ne3A_763 = arith.xori %lt3A_760, %lt3A_762 : i1
          %and3A_764 = arith.andi %ne3A_763, %ne3A_758 : i1
          %add3A_765 = arith.addi %rem3A_756, %select_n3A_755 : i32
          %select_n3A_766 = arith.select %and3A_764, %add3A_765, %rem3A_756 : i32
          %mul3A_767 = arith.constant 1 : i32
          %mul3A_768 = arith.muli %mul3A_767, %select_n3A_750 : i32
          %mul3A_769 = arith.constant 128 : i32
          %mul3A_770 = arith.muli %mul3A_769, %select_n3A_766 : i32
          %dma_start3A_771 = arith.constant 0 : i32
          %dma_start3A_772 = arith.constant 0 : i32
          %dma_start3A_773 = arith.constant 0 : i32
          %dma_start3A_774 = tpu.memref_slice %run_scoped3A[%rem3A_726, %dma_start3A_771, %dma_start3A_772, %dma_start3A_773] : memref<2x1x1x128xi32, #tpu.memory_space<vmem>> -> memref<1x1x1x128xi32, #tpu.memory_space<vmem>>
          %dma_start3A_775 = tpu.memref_squeeze %dma_start3A_774 : memref<1x1x1x128xi32, #tpu.memory_space<vmem>> -> memref<1x1x128xi32, #tpu.memory_space<vmem>>
          %dma_start3A_776 = arith.constant 0 : i32
          %dma_start3A_777 = tpu.memref_slice %arg3[%mul3A_768, %dma_start3A_776, %mul3A_770] : memref<16x1x512xi32, #tpu.memory_space<hbm>> -> memref<1x1x128xi32, #tpu.memory_space<hbm>>
          %dma_start3A_778 = tpu.memref_slice %run_scoped3A_7[%rem3A_726] : memref<2x!tpu.dma_semaphore, #tpu.memory_space<semaphore_mem>> -> memref<1x!tpu.dma_semaphore, #tpu.memory_space<semaphore_mem>>
          %dma_start3A_779 = tpu.memref_squeeze %dma_start3A_778 : memref<1x!tpu.dma_semaphore, #tpu.memory_space<semaphore_mem>> -> memref<!tpu.dma_semaphore, #tpu.memory_space<semaphore_mem>>
          %dma_start3A_780 = arith.constant 0 : i32
          %dma_start3A_781 = arith.constant 0 : i32
          %dma_start3A_782 = arith.constant 0 : i32
          %dma_start3A_783 = tpu.memref_slice %run_scoped3A[%rem3A_726, %dma_start3A_780, %dma_start3A_781, %dma_start3A_782] : memref<2x1x1x128xi32, #tpu.memory_space<vmem>> -> memref<1x1x1x128xi32, #tpu.memory_space<vmem>>
          %dma_start3A_784 = tpu.memref_squeeze %dma_start3A_783 : memref<1x1x1x128xi32, #tpu.memory_space<vmem>> -> memref<1x1x128xi32, #tpu.memory_space<vmem>>
          %dma_start3A_785 = arith.constant 0 : i32
          %dma_start3A_786 = tpu.memref_slice %arg3[%mul3A_768, %dma_start3A_785, %mul3A_770] : memref<16x1x512xi32, #tpu.memory_space<hbm>> -> memref<1x1x128xi32, #tpu.memory_space<hbm>>
          tpu.enqueue_dma source(%dma_start3A_786 : memref<1x1x128xi32, #tpu.memory_space<hbm>>) target(%dma_start3A_784 : memref<1x1x128xi32, #tpu.memory_space<vmem>>) target_semaphore(%dma_start3A_779 : memref<!tpu.dma_semaphore, #tpu.memory_space<semaphore_mem>>)
          "tpu.trace_stop"() : () -> ()
        } else {
        }
        %and3A_287 = arith.constant true
        %and3A_288 = arith.andi %and3A_285, %and3A_287 : i1
        %add3A_289 = arith.constant 1 : i32
        %add3A_290 = arith.addi %scan3A_160, %add3A_289 : i32
        %select_n3A_291 = arith.select %and3A_288, %add3A_290, %scan3A_160 : i32
        %ne3A_292 = arith.cmpi ne, %add3A_169, %add3A_187 : i32
        %or3A_293 = arith.constant false
        %or3A_294 = arith.ori %or3A_293, %ne3A_292 : i1
        %or3A_295 = arith.constant false
        %or3A_296 = arith.ori %or3A_294, %or3A_295 : i1
        %ge3A_297 = arith.constant 1 : i32
        %ge3A_298 = arith.cmpi sge, %scan3A_159, %ge3A_297 : i32
        %not3A_299 = arith.constant true
        %not3A_300 = arith.xori %ge3A_298, %not3A_299 : i1
        %and3A_301 = arith.andi %or3A_296, %not3A_300 : i1
        %jit3A_302 = arith.constant 4 : i32
        %div3A_303 = arith.divsi %add3A_169, %jit3A_302 : i32
        %sign3A_304 = arith.constant 0 : i32
        %sign3A_305 = arith.cmpi sgt, %add3A_169, %sign3A_304 : i32
        %sign3A_306 = arith.extui %sign3A_305 : i1 to i32
        %sign3A_307 = arith.constant 0 : i32
        %sign3A_308 = arith.cmpi slt, %add3A_169, %sign3A_307 : i32
        %sign3A_309 = arith.extui %sign3A_308 : i1 to i32
        %sign3A_310 = arith.subi %sign3A_306, %sign3A_309 : i32
        %sign3A_311 = arith.constant 0 : i32
        %sign3A_312 = arith.cmpi sgt, %jit3A_302, %sign3A_311 : i32
        %sign3A_313 = arith.extui %sign3A_312 : i1 to i32
        %sign3A_314 = arith.constant 0 : i32
        %sign3A_315 = arith.cmpi slt, %jit3A_302, %sign3A_314 : i32
        %sign3A_316 = arith.extui %sign3A_315 : i1 to i32
        %sign3A_317 = arith.subi %sign3A_313, %sign3A_316 : i32
        %ne3A_318 = arith.cmpi ne, %sign3A_310, %sign3A_317 : i32
        %rem3A_319 = arith.remsi %add3A_169, %jit3A_302 : i32
        %ne3A_320 = arith.constant 0 : i32
        %ne3A_321 = arith.cmpi ne, %rem3A_319, %ne3A_320 : i32
        %and3A_322 = arith.andi %ne3A_318, %ne3A_321 : i1
        %sub3A_323 = arith.constant 1 : i32
        %sub3A_324 = arith.subi %div3A_303, %sub3A_323 : i32
        %select_n3A_325 = arith.select %and3A_322, %sub3A_324, %div3A_303 : i32
        %jit3A_326 = arith.constant 4 : i32
        %eq3A_327 = arith.constant 0 : i32
        %eq3A_328 = arith.cmpi eq, %jit3A_326, %eq3A_327 : i32
        %jit3A_329 = arith.constant 1 : i32
        %select_n3A_330 = arith.select %eq3A_328, %jit3A_329, %jit3A_326 : i32
        %rem3A_331 = arith.remsi %add3A_169, %select_n3A_330 : i32
        %ne3A_332 = arith.constant 0 : i32
        %ne3A_333 = arith.cmpi ne, %rem3A_331, %ne3A_332 : i32
        %lt3A_334 = arith.constant 0 : i32
        %lt3A_335 = arith.cmpi slt, %rem3A_331, %lt3A_334 : i32
        %lt3A_336 = arith.constant 0 : i32
        %lt3A_337 = arith.cmpi slt, %select_n3A_330, %lt3A_336 : i32
        %ne3A_338 = arith.xori %lt3A_335, %lt3A_337 : i1
        %and3A_339 = arith.andi %ne3A_338, %ne3A_333 : i1
        %add3A_340 = arith.addi %rem3A_331, %select_n3A_330 : i32
        %select_n3A_341 = arith.select %and3A_339, %add3A_340, %rem3A_331 : i32
        %jit3A_342 = arith.constant 4 : i32
        %div3A_343 = arith.divsi %add3A_178, %jit3A_342 : i32
        %sign3A_344 = arith.constant 0 : i32
        %sign3A_345 = arith.cmpi sgt, %add3A_178, %sign3A_344 : i32
        %sign3A_346 = arith.extui %sign3A_345 : i1 to i32
        %sign3A_347 = arith.constant 0 : i32
        %sign3A_348 = arith.cmpi slt, %add3A_178, %sign3A_347 : i32
        %sign3A_349 = arith.extui %sign3A_348 : i1 to i32
        %sign3A_350 = arith.subi %sign3A_346, %sign3A_349 : i32
        %sign3A_351 = arith.constant 0 : i32
        %sign3A_352 = arith.cmpi sgt, %jit3A_342, %sign3A_351 : i32
        %sign3A_353 = arith.extui %sign3A_352 : i1 to i32
        %sign3A_354 = arith.constant 0 : i32
        %sign3A_355 = arith.cmpi slt, %jit3A_342, %sign3A_354 : i32
        %sign3A_356 = arith.extui %sign3A_355 : i1 to i32
        %sign3A_357 = arith.subi %sign3A_353, %sign3A_356 : i32
        %ne3A_358 = arith.cmpi ne, %sign3A_350, %sign3A_357 : i32
        %rem3A_359 = arith.remsi %add3A_178, %jit3A_342 : i32
        %ne3A_360 = arith.constant 0 : i32
        %ne3A_361 = arith.cmpi ne, %rem3A_359, %ne3A_360 : i32
        %and3A_362 = arith.andi %ne3A_358, %ne3A_361 : i1
        %sub3A_363 = arith.constant 1 : i32
        %sub3A_364 = arith.subi %div3A_343, %sub3A_363 : i32
        %select_n3A_365 = arith.select %and3A_362, %sub3A_364, %div3A_343 : i32
        %jit3A_366 = arith.constant 4 : i32
        %eq3A_367 = arith.constant 0 : i32
        %eq3A_368 = arith.cmpi eq, %jit3A_366, %eq3A_367 : i32
        %jit3A_369 = arith.constant 1 : i32
        %select_n3A_370 = arith.select %eq3A_368, %jit3A_369, %jit3A_366 : i32
        %rem3A_371 = arith.remsi %add3A_178, %select_n3A_370 : i32
        %ne3A_372 = arith.constant 0 : i32
        %ne3A_373 = arith.cmpi ne, %rem3A_371, %ne3A_372 : i32
        %lt3A_374 = arith.constant 0 : i32
        %lt3A_375 = arith.cmpi slt, %rem3A_371, %lt3A_374 : i32
        %lt3A_376 = arith.constant 0 : i32
        %lt3A_377 = arith.cmpi slt, %select_n3A_370, %lt3A_376 : i32
        %ne3A_378 = arith.xori %lt3A_375, %lt3A_377 : i1
        %and3A_379 = arith.andi %ne3A_378, %ne3A_373 : i1
        %add3A_380 = arith.addi %rem3A_371, %select_n3A_370 : i32
        %select_n3A_381 = arith.select %and3A_379, %add3A_380, %rem3A_371 : i32
        %ne3A_382 = arith.cmpi ne, %select_n3A_325, %select_n3A_365 : i32
        %ne3A_383 = arith.cmpi ne, %select_n3A_341, %select_n3A_381 : i32
        %or3A_384 = arith.constant false
        %or3A_385 = arith.ori %or3A_384, %ne3A_382 : i1
        %or3A_386 = arith.constant false
        %or3A_387 = arith.ori %or3A_385, %or3A_386 : i1
        %or3A_388 = arith.ori %or3A_387, %ne3A_383 : i1
        %or3A_389 = arith.ori %or3A_388, %eq3A_166 : i1
        %convert_element_type3A_390 = arith.extui %or3A_389 : i1 to i32
        %cond3A_391 = arith.constant 0 : i32
        %cond3A_392 = arith.cmpi ne, %convert_element_type3A_390, %cond3A_391 : i32
        scf.if %cond3A_392 {
          %jit3A_725 = arith.constant 4 : i32
          "tpu.trace_start"() <{level = 10 : i32, message = "ep_wait_in"}> : () -> ()
          %div3A_726 = arith.divsi %add3A_169, %jit3A_725 : i32
          %sign3A_727 = arith.constant 0 : i32
          %sign3A_728 = arith.cmpi sgt, %add3A_169, %sign3A_727 : i32
          %sign3A_729 = arith.extui %sign3A_728 : i1 to i32
          %sign3A_730 = arith.constant 0 : i32
          %sign3A_731 = arith.cmpi slt, %add3A_169, %sign3A_730 : i32
          %sign3A_732 = arith.extui %sign3A_731 : i1 to i32
          %sign3A_733 = arith.subi %sign3A_729, %sign3A_732 : i32
          %sign3A_734 = arith.constant 0 : i32
          %sign3A_735 = arith.cmpi sgt, %jit3A_725, %sign3A_734 : i32
          %sign3A_736 = arith.extui %sign3A_735 : i1 to i32
          %sign3A_737 = arith.constant 0 : i32
          %sign3A_738 = arith.cmpi slt, %jit3A_725, %sign3A_737 : i32
          %sign3A_739 = arith.extui %sign3A_738 : i1 to i32
          %sign3A_740 = arith.subi %sign3A_736, %sign3A_739 : i32
          %ne3A_741 = arith.cmpi ne, %sign3A_733, %sign3A_740 : i32
          %rem3A_742 = arith.remsi %add3A_169, %jit3A_725 : i32
          %ne3A_743 = arith.constant 0 : i32
          %ne3A_744 = arith.cmpi ne, %rem3A_742, %ne3A_743 : i32
          %and3A_745 = arith.andi %ne3A_741, %ne3A_744 : i1
          %sub3A_746 = arith.constant 1 : i32
          %sub3A_747 = arith.subi %div3A_726, %sub3A_746 : i32
          %select_n3A_748 = arith.select %and3A_745, %sub3A_747, %div3A_726 : i32
          %jit3A_749 = arith.constant 4 : i32
          %eq3A_750 = arith.constant 0 : i32
          %eq3A_751 = arith.cmpi eq, %jit3A_749, %eq3A_750 : i32
          %jit3A_752 = arith.constant 1 : i32
          %select_n3A_753 = arith.select %eq3A_751, %jit3A_752, %jit3A_749 : i32
          %rem3A_754 = arith.remsi %add3A_169, %select_n3A_753 : i32
          %ne3A_755 = arith.constant 0 : i32
          %ne3A_756 = arith.cmpi ne, %rem3A_754, %ne3A_755 : i32
          %lt3A_757 = arith.constant 0 : i32
          %lt3A_758 = arith.cmpi slt, %rem3A_754, %lt3A_757 : i32
          %lt3A_759 = arith.constant 0 : i32
          %lt3A_760 = arith.cmpi slt, %select_n3A_753, %lt3A_759 : i32
          %ne3A_761 = arith.xori %lt3A_758, %lt3A_760 : i1
          %and3A_762 = arith.andi %ne3A_761, %ne3A_756 : i1
          %add3A_763 = arith.addi %rem3A_754, %select_n3A_753 : i32
          %select_n3A_764 = arith.select %and3A_762, %add3A_763, %rem3A_754 : i32
          %mul3A_765 = arith.constant 1 : i32
          %mul3A_766 = arith.muli %mul3A_765, %select_n3A_748 : i32
          %mul3A_767 = arith.constant 128 : i32
          %mul3A_768 = arith.muli %mul3A_767, %select_n3A_764 : i32
          %rem3A_769 = arith.constant 2 : i32
          %rem3A_770 = arith.remui %scan3A_161, %rem3A_769 : i32
          %dma_wait3A_771 = arith.constant 0 : i32
          %dma_wait3A_772 = arith.constant 0 : i32
          %dma_wait3A_773 = arith.constant 0 : i32
          %dma_wait3A_774 = tpu.memref_slice %run_scoped3A[%rem3A_770, %dma_wait3A_771, %dma_wait3A_772, %dma_wait3A_773] : memref<2x1x1x128xi32, #tpu.memory_space<vmem>> -> memref<1x1x1x128xi32, #tpu.memory_space<vmem>>
          %dma_wait3A_775 = tpu.memref_squeeze %dma_wait3A_774 : memref<1x1x1x128xi32, #tpu.memory_space<vmem>> -> memref<1x1x128xi32, #tpu.memory_space<vmem>>
          %dma_wait3A_776 = arith.constant 0 : i32
          %dma_wait3A_777 = tpu.memref_slice %arg3[%mul3A_766, %dma_wait3A_776, %mul3A_768] : memref<16x1x512xi32, #tpu.memory_space<hbm>> -> memref<1x1x128xi32, #tpu.memory_space<hbm>>
          %dma_wait3A_778 = tpu.memref_slice %run_scoped3A_7[%rem3A_770] : memref<2x!tpu.dma_semaphore, #tpu.memory_space<semaphore_mem>> -> memref<1x!tpu.dma_semaphore, #tpu.memory_space<semaphore_mem>>
          %dma_wait3A_779 = tpu.memref_squeeze %dma_wait3A_778 : memref<1x!tpu.dma_semaphore, #tpu.memory_space<semaphore_mem>> -> memref<!tpu.dma_semaphore, #tpu.memory_space<semaphore_mem>>
          %dma_wait3A_780 = arith.constant 0 : i32
          %dma_wait3A_781 = arith.constant 0 : i32
          %dma_wait3A_782 = arith.constant 0 : i32
          %dma_wait3A_783 = tpu.memref_slice %run_scoped3A[%rem3A_770, %dma_wait3A_780, %dma_wait3A_781, %dma_wait3A_782] : memref<2x1x1x128xi32, #tpu.memory_space<vmem>> -> memref<1x1x1x128xi32, #tpu.memory_space<vmem>>
          %dma_wait3A_784 = tpu.memref_squeeze %dma_wait3A_783 : memref<1x1x1x128xi32, #tpu.memory_space<vmem>> -> memref<1x1x128xi32, #tpu.memory_space<vmem>>
          %dma_wait3A_785 = arith.constant 0 : i32
          %dma_wait3A_786 = tpu.memref_slice %arg3[%mul3A_766, %dma_wait3A_785, %mul3A_768] : memref<16x1x512xi32, #tpu.memory_space<hbm>> -> memref<1x1x128xi32, #tpu.memory_space<hbm>>
          tpu.wait_dma2 semaphore(%dma_wait3A_779 : memref<!tpu.dma_semaphore, #tpu.memory_space<semaphore_mem>>) src(%dma_wait3A_786 : memref<1x1x128xi32, #tpu.memory_space<hbm>>) dst(%dma_wait3A_784 : memref<1x1x128xi32, #tpu.memory_space<vmem>>)
          "tpu.trace_stop"() : () -> ()
        } else {
        }
        %ne3A_393 = arith.cmpi ne, %add3A_169, %add3A_178 : i32
        %or3A_394 = arith.constant false
        %or3A_395 = arith.ori %or3A_394, %ne3A_393 : i1
        %or3A_396 = arith.constant false
        %or3A_397 = arith.ori %or3A_395, %or3A_396 : i1
        %or3A_398 = arith.ori %or3A_397, %eq3A_166 : i1
        %convert_element_type3A_399 = arith.extui %or3A_398 : i1 to i32
        %cond3A_400 = arith.constant 0 : i32
        %cond3A_401 = arith.cmpi ne, %convert_element_type3A_399, %cond3A_400 : i32
        scf.if %cond3A_401 {
        } else {
        }
        %rem3A_402 = arith.constant 2 : i32
        %rem3A_403 = arith.remui %scan3A_161, %rem3A_402 : i32
        %rem3A_404 = arith.constant 2 : i32
        %rem3A_405 = arith.remui %scan3A_162, %rem3A_404 : i32
        %run_scoped3A_406 = arith.constant 0 : i32
        %run_scoped3A_407 = arith.constant 0 : i32
        "tpu.trace_start"() <{level = 10 : i32, message = "ep_run_kernel"}> : () -> ()
        "tpu.region"() ({
          %run_scoped3A_725 = tpu.sem_alloc : memref<!tpu.dma_semaphore, #tpu.memory_space<semaphore_mem>>
          %dma_start3A_726 = arith.constant 0 : i32
          %dma_start3A_727 = arith.constant 0 : i32
          %dma_start3A_728 = tpu.memref_slice %run_scoped3A_8[%rem3A_405, %dma_start3A_726, %dma_start3A_727] : memref<2x128x256xf32, #tpu.memory_space<vmem>> -> memref<1x128x256xf32, #tpu.memory_space<vmem>>
          %dma_start3A_729 = tpu.memref_squeeze %dma_start3A_728 : memref<1x128x256xf32, #tpu.memory_space<vmem>> -> memref<128x256xf32, #tpu.memory_space<vmem>>
          %dma_start3A_730 = arith.constant 0 : i32
          %dma_start3A_731 = arith.constant 0 : i32
          %dma_start3A_732 = arith.constant 0 : i32
          %dma_start3A_733 = tpu.memref_slice %run_scoped3A[%rem3A_403, %dma_start3A_730, %dma_start3A_731, %dma_start3A_732] : memref<2x1x1x128xi32, #tpu.memory_space<vmem>> -> memref<1x1x1x128xi32, #tpu.memory_space<vmem>>
          %dma_start3A_734 = tpu.memref_squeeze %dma_start3A_733 : memref<1x1x1x128xi32, #tpu.memory_space<vmem>> -> memref<1x1x128xi32, #tpu.memory_space<vmem>>
          %dma_start3A_735 = arith.constant 0 : i32
          %dma_start3A_736 = tpu.memref_slice %dma_start3A_734[%run_scoped3A_406, %run_scoped3A_407, %dma_start3A_735] : memref<1x1x128xi32, #tpu.memory_space<vmem>> -> memref<1x1x128xi32, #tpu.memory_space<vmem>>
          %dma_start3A_737 = tpu.memref_squeeze %dma_start3A_736 : memref<1x1x128xi32, #tpu.memory_space<vmem>> -> memref<128xi32, #tpu.memory_space<vmem>>
          %dma_start3A_738 = arith.constant 0 : i32
          %dma_start3A_739 = arith.constant 0 : i32
          %dma_start3A_740 = tpu.memref_slice %arg2[%dma_start3A_738, %dma_start3A_739] : memref<8192x256xf32, #tpu.memory_space<hbm>> -> memref<8192x256xf32, #tpu.memory_space<hbm>>
          tpu.enqueue_indirect_dma source(%dma_start3A_740 : memref<8192x256xf32, #tpu.memory_space<hbm>>) target(%dma_start3A_729 : memref<128x256xf32, #tpu.memory_space<vmem>>) offsets(%dma_start3A_737 : memref<128xi32, #tpu.memory_space<vmem>>) semaphore(%run_scoped3A_725 : memref<!tpu.dma_semaphore, #tpu.memory_space<semaphore_mem>>)
          %dma_wait3A_741 = arith.constant 0 : i32
          %dma_wait3A_742 = arith.constant 0 : i32
          %dma_wait3A_743 = tpu.memref_slice %run_scoped3A_8[%rem3A_405, %dma_wait3A_741, %dma_wait3A_742] : memref<2x128x256xf32, #tpu.memory_space<vmem>> -> memref<1x128x256xf32, #tpu.memory_space<vmem>>
          %dma_wait3A_744 = tpu.memref_squeeze %dma_wait3A_743 : memref<1x128x256xf32, #tpu.memory_space<vmem>> -> memref<128x256xf32, #tpu.memory_space<vmem>>
          %dma_wait3A_745 = arith.constant 0 : i32
          %dma_wait3A_746 = arith.constant 0 : i32
          %dma_wait3A_747 = arith.constant 0 : i32
          %dma_wait3A_748 = tpu.memref_slice %run_scoped3A[%rem3A_403, %dma_wait3A_745, %dma_wait3A_746, %dma_wait3A_747] : memref<2x1x1x128xi32, #tpu.memory_space<vmem>> -> memref<1x1x1x128xi32, #tpu.memory_space<vmem>>
          %dma_wait3A_749 = tpu.memref_squeeze %dma_wait3A_748 : memref<1x1x1x128xi32, #tpu.memory_space<vmem>> -> memref<1x1x128xi32, #tpu.memory_space<vmem>>
          %dma_wait3A_750 = arith.constant 0 : i32
          %dma_wait3A_751 = tpu.memref_slice %dma_wait3A_749[%run_scoped3A_406, %run_scoped3A_407, %dma_wait3A_750] : memref<1x1x128xi32, #tpu.memory_space<vmem>> -> memref<1x1x128xi32, #tpu.memory_space<vmem>>
          %dma_wait3A_752 = tpu.memref_squeeze %dma_wait3A_751 : memref<1x1x128xi32, #tpu.memory_space<vmem>> -> memref<128xi32, #tpu.memory_space<vmem>>
          %dma_wait3A_753 = arith.constant 0 : i32
          %dma_wait3A_754 = arith.constant 0 : i32
          %dma_wait3A_755 = tpu.memref_slice %arg2[%dma_wait3A_753, %dma_wait3A_754] : memref<8192x256xf32, #tpu.memory_space<hbm>> -> memref<8192x256xf32, #tpu.memory_space<hbm>>
          tpu.wait_indirect_dma semaphore(%run_scoped3A_725 : memref<!tpu.dma_semaphore, #tpu.memory_space<semaphore_mem>>) src(%dma_wait3A_755 : memref<8192x256xf32, #tpu.memory_space<hbm>>) dst(%dma_wait3A_744 : memref<128x256xf32, #tpu.memory_space<vmem>>)
          tpu.yield
        }) : () -> ()
        %jit3A_408 = arith.constant 4 : i32
        "tpu.trace_stop"() : () -> ()
        %div3A_409 = arith.divsi %add3A_169, %jit3A_408 : i32
        %sign3A_410 = arith.constant 0 : i32
        %sign3A_411 = arith.cmpi sgt, %add3A_169, %sign3A_410 : i32
        %sign3A_412 = arith.extui %sign3A_411 : i1 to i32
        %sign3A_413 = arith.constant 0 : i32
        %sign3A_414 = arith.cmpi slt, %add3A_169, %sign3A_413 : i32
        %sign3A_415 = arith.extui %sign3A_414 : i1 to i32
        %sign3A_416 = arith.subi %sign3A_412, %sign3A_415 : i32
        %sign3A_417 = arith.constant 0 : i32
        %sign3A_418 = arith.cmpi sgt, %jit3A_408, %sign3A_417 : i32
        %sign3A_419 = arith.extui %sign3A_418 : i1 to i32
        %sign3A_420 = arith.constant 0 : i32
        %sign3A_421 = arith.cmpi slt, %jit3A_408, %sign3A_420 : i32
        %sign3A_422 = arith.extui %sign3A_421 : i1 to i32
        %sign3A_423 = arith.subi %sign3A_419, %sign3A_422 : i32
        %ne3A_424 = arith.cmpi ne, %sign3A_416, %sign3A_423 : i32
        %rem3A_425 = arith.remsi %add3A_169, %jit3A_408 : i32
        %ne3A_426 = arith.constant 0 : i32
        %ne3A_427 = arith.cmpi ne, %rem3A_425, %ne3A_426 : i32
        %and3A_428 = arith.andi %ne3A_424, %ne3A_427 : i1
        %sub3A_429 = arith.constant 1 : i32
        %sub3A_430 = arith.subi %div3A_409, %sub3A_429 : i32
        %select_n3A_431 = arith.select %and3A_428, %sub3A_430, %div3A_409 : i32
        %jit3A_432 = arith.constant 4 : i32
        %eq3A_433 = arith.constant 0 : i32
        %eq3A_434 = arith.cmpi eq, %jit3A_432, %eq3A_433 : i32
        %jit3A_435 = arith.constant 1 : i32
        %select_n3A_436 = arith.select %eq3A_434, %jit3A_435, %jit3A_432 : i32
        %rem3A_437 = arith.remsi %add3A_169, %select_n3A_436 : i32
        %ne3A_438 = arith.constant 0 : i32
        %ne3A_439 = arith.cmpi ne, %rem3A_437, %ne3A_438 : i32
        %lt3A_440 = arith.constant 0 : i32
        %lt3A_441 = arith.cmpi slt, %rem3A_437, %lt3A_440 : i32
        %lt3A_442 = arith.constant 0 : i32
        %lt3A_443 = arith.cmpi slt, %select_n3A_436, %lt3A_442 : i32
        %ne3A_444 = arith.xori %lt3A_441, %lt3A_443 : i1
        %and3A_445 = arith.andi %ne3A_444, %ne3A_439 : i1
        %add3A_446 = arith.addi %rem3A_437, %select_n3A_436 : i32
        %select_n3A_447 = arith.select %and3A_445, %add3A_446, %rem3A_437 : i32
        %jit3A_448 = arith.constant 4 : i32
        %div3A_449 = arith.divsi %add3A_187, %jit3A_448 : i32
        %sign3A_450 = arith.constant 0 : i32
        %sign3A_451 = arith.cmpi sgt, %add3A_187, %sign3A_450 : i32
        %sign3A_452 = arith.extui %sign3A_451 : i1 to i32
        %sign3A_453 = arith.constant 0 : i32
        %sign3A_454 = arith.cmpi slt, %add3A_187, %sign3A_453 : i32
        %sign3A_455 = arith.extui %sign3A_454 : i1 to i32
        %sign3A_456 = arith.subi %sign3A_452, %sign3A_455 : i32
        %sign3A_457 = arith.constant 0 : i32
        %sign3A_458 = arith.cmpi sgt, %jit3A_448, %sign3A_457 : i32
        %sign3A_459 = arith.extui %sign3A_458 : i1 to i32
        %sign3A_460 = arith.constant 0 : i32
        %sign3A_461 = arith.cmpi slt, %jit3A_448, %sign3A_460 : i32
        %sign3A_462 = arith.extui %sign3A_461 : i1 to i32
        %sign3A_463 = arith.subi %sign3A_459, %sign3A_462 : i32
        %ne3A_464 = arith.cmpi ne, %sign3A_456, %sign3A_463 : i32
        %rem3A_465 = arith.remsi %add3A_187, %jit3A_448 : i32
        %ne3A_466 = arith.constant 0 : i32
        %ne3A_467 = arith.cmpi ne, %rem3A_465, %ne3A_466 : i32
        %and3A_468 = arith.andi %ne3A_464, %ne3A_467 : i1
        %sub3A_469 = arith.constant 1 : i32
        %sub3A_470 = arith.subi %div3A_449, %sub3A_469 : i32
        %select_n3A_471 = arith.select %and3A_468, %sub3A_470, %div3A_449 : i32
        %jit3A_472 = arith.constant 4 : i32
        %eq3A_473 = arith.constant 0 : i32
        %eq3A_474 = arith.cmpi eq, %jit3A_472, %eq3A_473 : i32
        %jit3A_475 = arith.constant 1 : i32
        %select_n3A_476 = arith.select %eq3A_474, %jit3A_475, %jit3A_472 : i32
        %rem3A_477 = arith.remsi %add3A_187, %select_n3A_476 : i32
        %ne3A_478 = arith.constant 0 : i32
        %ne3A_479 = arith.cmpi ne, %rem3A_477, %ne3A_478 : i32
        %lt3A_480 = arith.constant 0 : i32
        %lt3A_481 = arith.cmpi slt, %rem3A_477, %lt3A_480 : i32
        %lt3A_482 = arith.constant 0 : i32
        %lt3A_483 = arith.cmpi slt, %select_n3A_476, %lt3A_482 : i32
        %ne3A_484 = arith.xori %lt3A_481, %lt3A_483 : i1
        %and3A_485 = arith.andi %ne3A_484, %ne3A_479 : i1
        %add3A_486 = arith.addi %rem3A_477, %select_n3A_476 : i32
        %select_n3A_487 = arith.select %and3A_485, %add3A_486, %rem3A_477 : i32
        %ne3A_488 = arith.cmpi ne, %select_n3A_431, %select_n3A_471 : i32
        %ne3A_489 = arith.cmpi ne, %select_n3A_447, %select_n3A_487 : i32
        %or3A_490 = arith.constant false
        %or3A_491 = arith.ori %or3A_490, %ne3A_488 : i1
        %or3A_492 = arith.constant false
        %or3A_493 = arith.ori %or3A_491, %or3A_492 : i1
        %or3A_494 = arith.ori %or3A_493, %ne3A_489 : i1
        %or3A_495 = arith.ori %or3A_494, %eq3A_168 : i1
        %convert_element_type3A_496 = arith.extui %or3A_495 : i1 to i32
        %cond3A_497 = arith.constant 0 : i32
        %cond3A_498 = arith.cmpi ne, %convert_element_type3A_496, %cond3A_497 : i32
        scf.if %cond3A_498 {
        } else {
        }
        %and3A_499 = arith.constant false
        %and3A_500 = arith.andi %or3A_495, %and3A_499 : i1
        %ne3A_501 = arith.cmpi ne, %add3A_169, %add3A_187 : i32
        %or3A_502 = arith.constant false
        %or3A_503 = arith.ori %or3A_502, %ne3A_501 : i1
        %or3A_504 = arith.constant false
        %or3A_505 = arith.ori %or3A_503, %or3A_504 : i1
        %or3A_506 = arith.ori %or3A_505, %eq3A_168 : i1
        %convert_element_type3A_507 = arith.extui %or3A_506 : i1 to i32
        %cond3A_508 = arith.constant 0 : i32
        %cond3A_509 = arith.cmpi ne, %convert_element_type3A_507, %cond3A_508 : i32
        scf.if %cond3A_509 {
          "tpu.trace_start"() <{level = 10 : i32, message = "ep_copy_out"}> : () -> ()
          %rem3A_725 = arith.constant 2 : i32
          %rem3A_726 = arith.remui %scan3A_162, %rem3A_725 : i32
          %mul3A_727 = arith.constant 128 : i32
          %mul3A_728 = arith.muli %mul3A_727, %add3A_169 : i32
          %dma_start3A_729 = arith.constant 0 : i32
          %dma_start3A_730 = arith.constant 0 : i32
          %dma_start3A_731 = tpu.memref_slice %run_scoped3A_8[%rem3A_726, %dma_start3A_729, %dma_start3A_730] : memref<2x128x256xf32, #tpu.memory_space<vmem>> -> memref<1x128x256xf32, #tpu.memory_space<vmem>>
          %dma_start3A_732 = tpu.memref_squeeze %dma_start3A_731 : memref<1x128x256xf32, #tpu.memory_space<vmem>> -> memref<128x256xf32, #tpu.memory_space<vmem>>
          %dma_start3A_733 = arith.constant 0 : i32
          %dma_start3A_734 = tpu.memref_slice %arg4[%mul3A_728, %dma_start3A_733] : memref<8192x256xf32, #tpu.memory_space<hbm>> -> memref<128x256xf32, #tpu.memory_space<hbm>>
          %dma_start3A_735 = tpu.memref_slice %run_scoped3A_9[%rem3A_726] : memref<2x!tpu.dma_semaphore, #tpu.memory_space<semaphore_mem>> -> memref<1x!tpu.dma_semaphore, #tpu.memory_space<semaphore_mem>>
          %dma_start3A_736 = tpu.memref_squeeze %dma_start3A_735 : memref<1x!tpu.dma_semaphore, #tpu.memory_space<semaphore_mem>> -> memref<!tpu.dma_semaphore, #tpu.memory_space<semaphore_mem>>
          %dma_start3A_737 = arith.constant 0 : i32
          %dma_start3A_738 = tpu.memref_slice %arg4[%mul3A_728, %dma_start3A_737] : memref<8192x256xf32, #tpu.memory_space<hbm>> -> memref<128x256xf32, #tpu.memory_space<hbm>>
          %dma_start3A_739 = arith.constant 0 : i32
          %dma_start3A_740 = arith.constant 0 : i32
          %dma_start3A_741 = tpu.memref_slice %run_scoped3A_8[%rem3A_726, %dma_start3A_739, %dma_start3A_740] : memref<2x128x256xf32, #tpu.memory_space<vmem>> -> memref<1x128x256xf32, #tpu.memory_space<vmem>>
          %dma_start3A_742 = tpu.memref_squeeze %dma_start3A_741 : memref<1x128x256xf32, #tpu.memory_space<vmem>> -> memref<128x256xf32, #tpu.memory_space<vmem>>
          tpu.enqueue_dma source(%dma_start3A_742 : memref<128x256xf32, #tpu.memory_space<vmem>>) target(%dma_start3A_738 : memref<128x256xf32, #tpu.memory_space<hbm>>) target_semaphore(%dma_start3A_736 : memref<!tpu.dma_semaphore, #tpu.memory_space<semaphore_mem>>)
          "tpu.trace_stop"() : () -> ()
        } else {
        }
        %and3A_510 = arith.constant true
        %and3A_511 = arith.andi %or3A_506, %and3A_510 : i1
        %add3A_512 = arith.constant 1 : i32
        %add3A_513 = arith.addi %scan3A_162, %add3A_512 : i32
        %select_n3A_514 = arith.select %and3A_511, %add3A_513, %scan3A_162 : i32
        %jit3A_515 = arith.constant 4 : i32
        %div3A_516 = arith.divsi %add3A_169, %jit3A_515 : i32
        %sign3A_517 = arith.constant 0 : i32
        %sign3A_518 = arith.cmpi sgt, %add3A_169, %sign3A_517 : i32
        %sign3A_519 = arith.extui %sign3A_518 : i1 to i32
        %sign3A_520 = arith.constant 0 : i32
        %sign3A_521 = arith.cmpi slt, %add3A_169, %sign3A_520 : i32
        %sign3A_522 = arith.extui %sign3A_521 : i1 to i32
        %sign3A_523 = arith.subi %sign3A_519, %sign3A_522 : i32
        %sign3A_524 = arith.constant 0 : i32
        %sign3A_525 = arith.cmpi sgt, %jit3A_515, %sign3A_524 : i32
        %sign3A_526 = arith.extui %sign3A_525 : i1 to i32
        %sign3A_527 = arith.constant 0 : i32
        %sign3A_528 = arith.cmpi slt, %jit3A_515, %sign3A_527 : i32
        %sign3A_529 = arith.extui %sign3A_528 : i1 to i32
        %sign3A_530 = arith.subi %sign3A_526, %sign3A_529 : i32
        %ne3A_531 = arith.cmpi ne, %sign3A_523, %sign3A_530 : i32
        %rem3A_532 = arith.remsi %add3A_169, %jit3A_515 : i32
        %ne3A_533 = arith.constant 0 : i32
        %ne3A_534 = arith.cmpi ne, %rem3A_532, %ne3A_533 : i32
        %and3A_535 = arith.andi %ne3A_531, %ne3A_534 : i1
        %sub3A_536 = arith.constant 1 : i32
        %sub3A_537 = arith.subi %div3A_516, %sub3A_536 : i32
        %select_n3A_538 = arith.select %and3A_535, %sub3A_537, %div3A_516 : i32
        %jit3A_539 = arith.constant 4 : i32
        %eq3A_540 = arith.constant 0 : i32
        %eq3A_541 = arith.cmpi eq, %jit3A_539, %eq3A_540 : i32
        %jit3A_542 = arith.constant 1 : i32
        %select_n3A_543 = arith.select %eq3A_541, %jit3A_542, %jit3A_539 : i32
        %rem3A_544 = arith.remsi %add3A_169, %select_n3A_543 : i32
        %ne3A_545 = arith.constant 0 : i32
        %ne3A_546 = arith.cmpi ne, %rem3A_544, %ne3A_545 : i32
        %lt3A_547 = arith.constant 0 : i32
        %lt3A_548 = arith.cmpi slt, %rem3A_544, %lt3A_547 : i32
        %lt3A_549 = arith.constant 0 : i32
        %lt3A_550 = arith.cmpi slt, %select_n3A_543, %lt3A_549 : i32
        %ne3A_551 = arith.xori %lt3A_548, %lt3A_550 : i1
        %and3A_552 = arith.andi %ne3A_551, %ne3A_546 : i1
        %add3A_553 = arith.addi %rem3A_544, %select_n3A_543 : i32
        %select_n3A_554 = arith.select %and3A_552, %add3A_553, %rem3A_544 : i32
        %jit3A_555 = arith.constant 4 : i32
        %div3A_556 = arith.divsi %add3A_178, %jit3A_555 : i32
        %sign3A_557 = arith.constant 0 : i32
        %sign3A_558 = arith.cmpi sgt, %add3A_178, %sign3A_557 : i32
        %sign3A_559 = arith.extui %sign3A_558 : i1 to i32
        %sign3A_560 = arith.constant 0 : i32
        %sign3A_561 = arith.cmpi slt, %add3A_178, %sign3A_560 : i32
        %sign3A_562 = arith.extui %sign3A_561 : i1 to i32
        %sign3A_563 = arith.subi %sign3A_559, %sign3A_562 : i32
        %sign3A_564 = arith.constant 0 : i32
        %sign3A_565 = arith.cmpi sgt, %jit3A_555, %sign3A_564 : i32
        %sign3A_566 = arith.extui %sign3A_565 : i1 to i32
        %sign3A_567 = arith.constant 0 : i32
        %sign3A_568 = arith.cmpi slt, %jit3A_555, %sign3A_567 : i32
        %sign3A_569 = arith.extui %sign3A_568 : i1 to i32
        %sign3A_570 = arith.subi %sign3A_566, %sign3A_569 : i32
        %ne3A_571 = arith.cmpi ne, %sign3A_563, %sign3A_570 : i32
        %rem3A_572 = arith.remsi %add3A_178, %jit3A_555 : i32
        %ne3A_573 = arith.constant 0 : i32
        %ne3A_574 = arith.cmpi ne, %rem3A_572, %ne3A_573 : i32
        %and3A_575 = arith.andi %ne3A_571, %ne3A_574 : i1
        %sub3A_576 = arith.constant 1 : i32
        %sub3A_577 = arith.subi %div3A_556, %sub3A_576 : i32
        %select_n3A_578 = arith.select %and3A_575, %sub3A_577, %div3A_556 : i32
        %jit3A_579 = arith.constant 4 : i32
        %eq3A_580 = arith.constant 0 : i32
        %eq3A_581 = arith.cmpi eq, %jit3A_579, %eq3A_580 : i32
        %jit3A_582 = arith.constant 1 : i32
        %select_n3A_583 = arith.select %eq3A_581, %jit3A_582, %jit3A_579 : i32
        %rem3A_584 = arith.remsi %add3A_178, %select_n3A_583 : i32
        %ne3A_585 = arith.constant 0 : i32
        %ne3A_586 = arith.cmpi ne, %rem3A_584, %ne3A_585 : i32
        %lt3A_587 = arith.constant 0 : i32
        %lt3A_588 = arith.cmpi slt, %rem3A_584, %lt3A_587 : i32
        %lt3A_589 = arith.constant 0 : i32
        %lt3A_590 = arith.cmpi slt, %select_n3A_583, %lt3A_589 : i32
        %ne3A_591 = arith.xori %lt3A_588, %lt3A_590 : i1
        %and3A_592 = arith.andi %ne3A_591, %ne3A_586 : i1
        %add3A_593 = arith.addi %rem3A_584, %select_n3A_583 : i32
        %select_n3A_594 = arith.select %and3A_592, %add3A_593, %rem3A_584 : i32
        %ne3A_595 = arith.cmpi ne, %select_n3A_538, %select_n3A_578 : i32
        %ne3A_596 = arith.cmpi ne, %select_n3A_554, %select_n3A_594 : i32
        %or3A_597 = arith.constant false
        %or3A_598 = arith.ori %or3A_597, %ne3A_595 : i1
        %or3A_599 = arith.constant false
        %or3A_600 = arith.ori %or3A_598, %or3A_599 : i1
        %or3A_601 = arith.ori %or3A_600, %ne3A_596 : i1
        %not3A_602 = arith.constant true
        %not3A_603 = arith.xori %eq3A_166, %not3A_602 : i1
        %and3A_604 = arith.andi %or3A_601, %not3A_603 : i1
        %convert_element_type3A_605 = arith.extui %and3A_604 : i1 to i32
        %cond3A_606 = arith.constant 0 : i32
        %cond3A_607 = arith.cmpi ne, %convert_element_type3A_605, %cond3A_606 : i32
        scf.if %cond3A_607 {
        } else {
        }
        %and3A_608 = arith.constant false
        %and3A_609 = arith.andi %and3A_604, %and3A_608 : i1
        %ne3A_610 = arith.cmpi ne, %add3A_169, %add3A_178 : i32
        %or3A_611 = arith.constant false
        %or3A_612 = arith.ori %or3A_611, %ne3A_610 : i1
        %or3A_613 = arith.constant false
        %or3A_614 = arith.ori %or3A_612, %or3A_613 : i1
        %not3A_615 = arith.constant true
        %not3A_616 = arith.xori %eq3A_166, %not3A_615 : i1
        %and3A_617 = arith.andi %or3A_614, %not3A_616 : i1
        %convert_element_type3A_618 = arith.extui %and3A_617 : i1 to i32
        %cond3A_619 = arith.constant 0 : i32
        %cond3A_620 = arith.cmpi ne, %convert_element_type3A_618, %cond3A_619 : i32
        scf.if %cond3A_620 {
          "tpu.trace_start"() <{level = 10 : i32, message = "ep_wait_out"}> : () -> ()
          %rem3A_725 = arith.constant 2 : i32
          %rem3A_726 = arith.remui %scan3A_163, %rem3A_725 : i32
          %mul3A_727 = arith.constant 128 : i32
          %mul3A_728 = arith.muli %mul3A_727, %add3A_178 : i32
          %dma_wait3A_729 = arith.constant 0 : i32
          %dma_wait3A_730 = arith.constant 0 : i32
          %dma_wait3A_731 = tpu.memref_slice %run_scoped3A_8[%rem3A_726, %dma_wait3A_729, %dma_wait3A_730] : memref<2x128x256xf32, #tpu.memory_space<vmem>> -> memref<1x128x256xf32, #tpu.memory_space<vmem>>
          %dma_wait3A_732 = tpu.memref_squeeze %dma_wait3A_731 : memref<1x128x256xf32, #tpu.memory_space<vmem>> -> memref<128x256xf32, #tpu.memory_space<vmem>>
          %dma_wait3A_733 = arith.constant 0 : i32
          %dma_wait3A_734 = tpu.memref_slice %arg4[%mul3A_728, %dma_wait3A_733] : memref<8192x256xf32, #tpu.memory_space<hbm>> -> memref<128x256xf32, #tpu.memory_space<hbm>>
          %dma_wait3A_735 = tpu.memref_slice %run_scoped3A_9[%rem3A_726] : memref<2x!tpu.dma_semaphore, #tpu.memory_space<semaphore_mem>> -> memref<1x!tpu.dma_semaphore, #tpu.memory_space<semaphore_mem>>
          %dma_wait3A_736 = tpu.memref_squeeze %dma_wait3A_735 : memref<1x!tpu.dma_semaphore, #tpu.memory_space<semaphore_mem>> -> memref<!tpu.dma_semaphore, #tpu.memory_space<semaphore_mem>>
          %dma_wait3A_737 = arith.constant 0 : i32
          %dma_wait3A_738 = tpu.memref_slice %arg4[%mul3A_728, %dma_wait3A_737] : memref<8192x256xf32, #tpu.memory_space<hbm>> -> memref<128x256xf32, #tpu.memory_space<hbm>>
          %dma_wait3A_739 = arith.constant 0 : i32
          %dma_wait3A_740 = arith.constant 0 : i32
          %dma_wait3A_741 = tpu.memref_slice %run_scoped3A_8[%rem3A_726, %dma_wait3A_739, %dma_wait3A_740] : memref<2x128x256xf32, #tpu.memory_space<vmem>> -> memref<1x128x256xf32, #tpu.memory_space<vmem>>
          %dma_wait3A_742 = tpu.memref_squeeze %dma_wait3A_741 : memref<1x128x256xf32, #tpu.memory_space<vmem>> -> memref<128x256xf32, #tpu.memory_space<vmem>>
          tpu.wait_dma2 semaphore(%dma_wait3A_736 : memref<!tpu.dma_semaphore, #tpu.memory_space<semaphore_mem>>) src(%dma_wait3A_742 : memref<128x256xf32, #tpu.memory_space<vmem>>) dst(%dma_wait3A_738 : memref<128x256xf32, #tpu.memory_space<hbm>>)
          "tpu.trace_stop"() : () -> ()
        } else {
        }
        %and3A_621 = arith.constant true
        %and3A_622 = arith.andi %and3A_617, %and3A_621 : i1
        %add3A_623 = arith.constant 1 : i32
        %add3A_624 = arith.addi %scan3A_163, %add3A_623 : i32
        %select_n3A_625 = arith.select %and3A_622, %add3A_624, %scan3A_163 : i32
        %jit3A_626 = arith.constant 4 : i32
        %div3A_627 = arith.divsi %add3A_169, %jit3A_626 : i32
        %sign3A_628 = arith.constant 0 : i32
        %sign3A_629 = arith.cmpi sgt, %add3A_169, %sign3A_628 : i32
        %sign3A_630 = arith.extui %sign3A_629 : i1 to i32
        %sign3A_631 = arith.constant 0 : i32
        %sign3A_632 = arith.cmpi slt, %add3A_169, %sign3A_631 : i32
        %sign3A_633 = arith.extui %sign3A_632 : i1 to i32
        %sign3A_634 = arith.subi %sign3A_630, %sign3A_633 : i32
        %sign3A_635 = arith.constant 0 : i32
        %sign3A_636 = arith.cmpi sgt, %jit3A_626, %sign3A_635 : i32
        %sign3A_637 = arith.extui %sign3A_636 : i1 to i32
        %sign3A_638 = arith.constant 0 : i32
        %sign3A_639 = arith.cmpi slt, %jit3A_626, %sign3A_638 : i32
        %sign3A_640 = arith.extui %sign3A_639 : i1 to i32
        %sign3A_641 = arith.subi %sign3A_637, %sign3A_640 : i32
        %ne3A_642 = arith.cmpi ne, %sign3A_634, %sign3A_641 : i32
        %rem3A_643 = arith.remsi %add3A_169, %jit3A_626 : i32
        %ne3A_644 = arith.constant 0 : i32
        %ne3A_645 = arith.cmpi ne, %rem3A_643, %ne3A_644 : i32
        %and3A_646 = arith.andi %ne3A_642, %ne3A_645 : i1
        %sub3A_647 = arith.constant 1 : i32
        %sub3A_648 = arith.subi %div3A_627, %sub3A_647 : i32
        %select_n3A_649 = arith.select %and3A_646, %sub3A_648, %div3A_627 : i32
        %jit3A_650 = arith.constant 4 : i32
        %eq3A_651 = arith.constant 0 : i32
        %eq3A_652 = arith.cmpi eq, %jit3A_650, %eq3A_651 : i32
        %jit3A_653 = arith.constant 1 : i32
        %select_n3A_654 = arith.select %eq3A_652, %jit3A_653, %jit3A_650 : i32
        %rem3A_655 = arith.remsi %add3A_169, %select_n3A_654 : i32
        %ne3A_656 = arith.constant 0 : i32
        %ne3A_657 = arith.cmpi ne, %rem3A_655, %ne3A_656 : i32
        %lt3A_658 = arith.constant 0 : i32
        %lt3A_659 = arith.cmpi slt, %rem3A_655, %lt3A_658 : i32
        %lt3A_660 = arith.constant 0 : i32
        %lt3A_661 = arith.cmpi slt, %select_n3A_654, %lt3A_660 : i32
        %ne3A_662 = arith.xori %lt3A_659, %lt3A_661 : i1
        %and3A_663 = arith.andi %ne3A_662, %ne3A_657 : i1
        %add3A_664 = arith.addi %rem3A_655, %select_n3A_654 : i32
        %select_n3A_665 = arith.select %and3A_663, %add3A_664, %rem3A_655 : i32
        %jit3A_666 = arith.constant 4 : i32
        %div3A_667 = arith.divsi %add3A_187, %jit3A_666 : i32
        %sign3A_668 = arith.constant 0 : i32
        %sign3A_669 = arith.cmpi sgt, %add3A_187, %sign3A_668 : i32
        %sign3A_670 = arith.extui %sign3A_669 : i1 to i32
        %sign3A_671 = arith.constant 0 : i32
        %sign3A_672 = arith.cmpi slt, %add3A_187, %sign3A_671 : i32
        %sign3A_673 = arith.extui %sign3A_672 : i1 to i32
        %sign3A_674 = arith.subi %sign3A_670, %sign3A_673 : i32
        %sign3A_675 = arith.constant 0 : i32
        %sign3A_676 = arith.cmpi sgt, %jit3A_666, %sign3A_675 : i32
        %sign3A_677 = arith.extui %sign3A_676 : i1 to i32
        %sign3A_678 = arith.constant 0 : i32
        %sign3A_679 = arith.cmpi slt, %jit3A_666, %sign3A_678 : i32
        %sign3A_680 = arith.extui %sign3A_679 : i1 to i32
        %sign3A_681 = arith.subi %sign3A_677, %sign3A_680 : i32
        %ne3A_682 = arith.cmpi ne, %sign3A_674, %sign3A_681 : i32
        %rem3A_683 = arith.remsi %add3A_187, %jit3A_666 : i32
        %ne3A_684 = arith.constant 0 : i32
        %ne3A_685 = arith.cmpi ne, %rem3A_683, %ne3A_684 : i32
        %and3A_686 = arith.andi %ne3A_682, %ne3A_685 : i1
        %sub3A_687 = arith.constant 1 : i32
        %sub3A_688 = arith.subi %div3A_667, %sub3A_687 : i32
        %select_n3A_689 = arith.select %and3A_686, %sub3A_688, %div3A_667 : i32
        %jit3A_690 = arith.constant 4 : i32
        %eq3A_691 = arith.constant 0 : i32
        %eq3A_692 = arith.cmpi eq, %jit3A_690, %eq3A_691 : i32
        %jit3A_693 = arith.constant 1 : i32
        %select_n3A_694 = arith.select %eq3A_692, %jit3A_693, %jit3A_690 : i32
        %rem3A_695 = arith.remsi %add3A_187, %select_n3A_694 : i32
        %ne3A_696 = arith.constant 0 : i32
        %ne3A_697 = arith.cmpi ne, %rem3A_695, %ne3A_696 : i32
        %lt3A_698 = arith.constant 0 : i32
        %lt3A_699 = arith.cmpi slt, %rem3A_695, %lt3A_698 : i32
        %lt3A_700 = arith.constant 0 : i32
        %lt3A_701 = arith.cmpi slt, %select_n3A_694, %lt3A_700 : i32
        %ne3A_702 = arith.xori %lt3A_699, %lt3A_701 : i1
        %and3A_703 = arith.andi %ne3A_702, %ne3A_697 : i1
        %add3A_704 = arith.addi %rem3A_695, %select_n3A_694 : i32
        %select_n3A_705 = arith.select %and3A_703, %add3A_704, %rem3A_695 : i32
        %ne3A_706 = arith.cmpi ne, %select_n3A_649, %select_n3A_689 : i32
        %ne3A_707 = arith.cmpi ne, %select_n3A_665, %select_n3A_705 : i32
        %or3A_708 = arith.constant false
        %or3A_709 = arith.ori %or3A_708, %ne3A_706 : i1
        %or3A_710 = arith.constant false
        %or3A_711 = arith.ori %or3A_709, %or3A_710 : i1
        %or3A_712 = arith.ori %or3A_711, %ne3A_707 : i1
        %or3A_713 = arith.ori %or3A_712, %eq3A_168 : i1
        %add3A_714 = arith.constant 1 : i32
        %add3A_715 = arith.addi %scan3A_161, %add3A_714 : i32
        %select_n3A_716 = arith.select %or3A_713, %add3A_715, %scan3A_161 : i32
        %add3A_717 = arith.constant 1 : i32
        %add3A_718 = arith.addi %scan3A_164, %add3A_717 : i32
        %select_n3A_719 = arith.constant true
        %select_n3A_720 = arith.select %select_n3A_719, %add3A_718, %scan3A_164 : i32
        %eq3A_721 = arith.constant 2 : i32
        %eq3A_722 = arith.cmpi eq, %select_n3A_720, %eq3A_721 : i32
        %select_n3A_723 = arith.constant 0 : i32
        %select_n3A_724 = arith.select %eq3A_722, %select_n3A_723, %select_n3A_720 : i32
        scf.yield %select_n3A_291, %select_n3A_716, %select_n3A_514, %select_n3A_625, %select_n3A_724 : i32, i32, i32, i32, i32
      }
      %scan3A_105 = arith.constant 2 : i32
      %sub3A_106 = arith.constant 1 : i32
      %sub3A_107 = arith.subi %scan3A_104#4, %sub3A_106 : i32
      %select_n3A_108 = arith.constant true
      %select_n3A_109 = arith.select %select_n3A_108, %sub3A_107, %scan3A_104#4 : i32
      %eq3A_110 = arith.constant -1 : i32
      %eq3A_111 = arith.cmpi eq, %select_n3A_109, %eq3A_110 : i32
      %select_n3A_112 = arith.constant 1 : i32
      %select_n3A_113 = arith.select %eq3A_111, %select_n3A_112, %select_n3A_109 : i32
      %add3A_114 = arith.addi %select_n3A_113, %mul3A_6 : i32
      %sub3A_115 = arith.constant 1 : i32
      %sub3A_116 = arith.subi %select_n3A_113, %sub3A_115 : i32
      %select_n3A_117 = arith.constant true
      %select_n3A_118 = arith.select %select_n3A_117, %sub3A_116, %select_n3A_113 : i32
      %eq3A_119 = arith.constant -1 : i32
      %eq3A_120 = arith.cmpi eq, %select_n3A_118, %eq3A_119 : i32
      %select_n3A_121 = arith.constant 1 : i32
      %select_n3A_122 = arith.select %eq3A_120, %select_n3A_121, %select_n3A_118 : i32
      %add3A_123 = arith.addi %select_n3A_122, %mul3A_6 : i32
      %add3A_124 = arith.constant 1 : i32
      %add3A_125 = arith.addi %select_n3A_113, %add3A_124 : i32
      %select_n3A_126 = arith.constant true
      %select_n3A_127 = arith.select %select_n3A_126, %add3A_125, %select_n3A_113 : i32
      %eq3A_128 = arith.constant 2 : i32
      %eq3A_129 = arith.cmpi eq, %select_n3A_127, %eq3A_128 : i32
      %select_n3A_130 = arith.constant 0 : i32
      %select_n3A_131 = arith.select %eq3A_129, %select_n3A_130, %select_n3A_127 : i32
      %add3A_132 = arith.addi %select_n3A_131, %mul3A_6 : i32
      %add3A_133 = arith.constant 1 : i32
      %add3A_134 = arith.addi %select_n3A_131, %add3A_133 : i32
      %select_n3A_135 = arith.constant true
      %select_n3A_136 = arith.select %select_n3A_135, %add3A_134, %select_n3A_131 : i32
      %eq3A_137 = arith.constant 2 : i32
      %eq3A_138 = arith.cmpi eq, %select_n3A_136, %eq3A_137 : i32
      %select_n3A_139 = arith.constant 0 : i32
      %select_n3A_140 = arith.select %eq3A_138, %select_n3A_139, %select_n3A_136 : i32
      %add3A_141 = arith.addi %select_n3A_140, %mul3A_6 : i32
      "tpu.trace_start"() <{level = 10 : i32, message = "ep_finalize"}> : () -> ()
      %rem3A_142 = arith.constant 2 : i32
      %rem3A_143 = arith.remui %scan3A_104#3, %rem3A_142 : i32
      %mul3A_144 = arith.constant 128 : i32
      %mul3A_145 = arith.muli %mul3A_144, %add3A_114 : i32
      %dma_wait3A = arith.constant 0 : i32
      %dma_wait3A_146 = arith.constant 0 : i32
      %dma_wait3A_147 = tpu.memref_slice %run_scoped3A_8[%rem3A_143, %dma_wait3A, %dma_wait3A_146] : memref<2x128x256xf32, #tpu.memory_space<vmem>> -> memref<1x128x256xf32, #tpu.memory_space<vmem>>
      %dma_wait3A_148 = tpu.memref_squeeze %dma_wait3A_147 : memref<1x128x256xf32, #tpu.memory_space<vmem>> -> memref<128x256xf32, #tpu.memory_space<vmem>>
      %dma_wait3A_149 = arith.constant 0 : i32
      %dma_wait3A_150 = tpu.memref_slice %arg4[%mul3A_145, %dma_wait3A_149] : memref<8192x256xf32, #tpu.memory_space<hbm>> -> memref<128x256xf32, #tpu.memory_space<hbm>>
      %dma_wait3A_151 = tpu.memref_slice %run_scoped3A_9[%rem3A_143] : memref<2x!tpu.dma_semaphore, #tpu.memory_space<semaphore_mem>> -> memref<1x!tpu.dma_semaphore, #tpu.memory_space<semaphore_mem>>
      %dma_wait3A_152 = tpu.memref_squeeze %dma_wait3A_151 : memref<1x!tpu.dma_semaphore, #tpu.memory_space<semaphore_mem>> -> memref<!tpu.dma_semaphore, #tpu.memory_space<semaphore_mem>>
      %dma_wait3A_153 = arith.constant 0 : i32
      %dma_wait3A_154 = tpu.memref_slice %arg4[%mul3A_145, %dma_wait3A_153] : memref<8192x256xf32, #tpu.memory_space<hbm>> -> memref<128x256xf32, #tpu.memory_space<hbm>>
      %dma_wait3A_155 = arith.constant 0 : i32
      %dma_wait3A_156 = arith.constant 0 : i32
      %dma_wait3A_157 = tpu.memref_slice %run_scoped3A_8[%rem3A_143, %dma_wait3A_155, %dma_wait3A_156] : memref<2x128x256xf32, #tpu.memory_space<vmem>> -> memref<1x128x256xf32, #tpu.memory_space<vmem>>
      %dma_wait3A_158 = tpu.memref_squeeze %dma_wait3A_157 : memref<1x128x256xf32, #tpu.memory_space<vmem>> -> memref<128x256xf32, #tpu.memory_space<vmem>>
      tpu.wait_dma2 semaphore(%dma_wait3A_152 : memref<!tpu.dma_semaphore, #tpu.memory_space<semaphore_mem>>) src(%dma_wait3A_158 : memref<128x256xf32, #tpu.memory_space<vmem>>) dst(%dma_wait3A_154 : memref<128x256xf32, #tpu.memory_space<hbm>>)
      "tpu.trace_stop"() : () -> ()
      tpu.yield
    }) : () -> ()
    return
  }
}

module attributes {stable_mosaic.version = 14 : i64} {
  func.func @_argmin_body(%arg0: i32, %arg1: memref<512x256xf32, #tpu.memory_space<vmem>>, %arg2: memref<8192x256xf32, #tpu.memory_space<vmem>>, %arg3: memref<1x1x512xi32, #tpu.memory_space<vmem>>, %arg4: memref<1x1x512xf32, #tpu.memory_space<vmem>>, %arg5: memref<1x8192xf32, #tpu.memory_space<vmem>>) attributes {dimension_semantics = [#tpu.dimension_semantics<arbitrary>], iteration_bounds = array<i64: 16>, scalar_prefetch = 0 : i64, scratch_operands = 1 : i64, tpu.core_type = #tpu.core_type<tc>, window_params = [{transform_indices = @transform_0, window_bounds = array<i64: 512, 256>}, {pipeline_mode = #tpu.pipeline_mode<synchronous>, transform_indices = @transform_1, window_bounds = array<i64: 8192, 256>}, {transform_indices = @transform_2, window_bounds = array<i64: 1, 1, 512>}, {transform_indices = @transform_3, window_bounds = array<i64: 1, 1, 512>}]} {
    %eq3A = arith.constant 0 : i32
    %eq3A_0 = arith.cmpi eq, %arg0, %eq3A : i32
    %convert_element_type3A = arith.extui %eq3A_0 : i1 to i32
    %cond3A = arith.constant 0 : i32
    %cond3A_1 = arith.cmpi ne, %convert_element_type3A, %cond3A : i32
    scf.if %cond3A_1 {
      %get3A_145 = arith.constant 0 : index
      %get3A_146 = arith.constant 0 : index
      %get3A_147 = vector.load %arg2[%get3A_145, %get3A_146] : memref<8192x256xf32, #tpu.memory_space<vmem>>, vector<8192x256xf32>
      %mul3A_148 = arith.mulf %get3A_147, %get3A_147 : vector<8192x256xf32>
      %reduce_sum3A_149 = arith.constant dense<0.000000e+00> : vector<8192xf32>
      %reduce_sum3A_150 = vector.multi_reduction <add>, %mul3A_148, %reduce_sum3A_149 [1] : vector<8192x256xf32> to vector<8192xf32>
      %broadcast_in_dim3A_151 = vector.shape_cast %reduce_sum3A_150 : vector<8192xf32> to vector<8192x1xf32>
      %reshape3A_152 = vector.shape_cast %broadcast_in_dim3A_151 : vector<8192x1xf32> to vector<1x8192xf32>
      %swap3A_153 = arith.constant 0 : index
      %swap3A_154 = arith.constant 0 : index
      %swap3A_155 = vector.load %arg5[%swap3A_153, %swap3A_154] : memref<1x8192xf32, #tpu.memory_space<vmem>>, vector<1x8192xf32>
      tpu.vector_store %arg5[%swap3A_153, %swap3A_154], %reshape3A_152 {strides = array<i32>} : memref<1x8192xf32, #tpu.memory_space<vmem>>, vector<1x8192xf32>,
    } else {
    }
    %get3A = arith.constant 0 : index
    %get3A_2 = arith.constant 0 : index
    %get3A_3 = vector.load %arg1[%get3A, %get3A_2] : memref<512x256xf32, #tpu.memory_space<vmem>>, vector<512x256xf32>
    %mul3A = arith.mulf %get3A_3, %get3A_3 : vector<512x256xf32>
    %reduce_sum3A = arith.constant dense<0.000000e+00> : vector<512xf32>
    %reduce_sum3A_4 = vector.multi_reduction <add>, %mul3A, %reduce_sum3A [1] : vector<512x256xf32> to vector<512xf32>
    %broadcast_in_dim3A = vector.shape_cast %reduce_sum3A_4 : vector<512xf32> to vector<512x1xf32>
    %mul3A_5 = arith.constant -2.000000e+00 : f32
    %mul3A_6 = vector.broadcast %mul3A_5 : f32 to vector<512x256xf32>
    %mul3A_7 = arith.mulf %get3A_3, %mul3A_6 : vector<512x256xf32>
    %iota3A = tpu.iota {dimensions = array<i32: 1>} : vector<1x1024xi32>
    %convert_element_type3A_8 = arith.sitofp %iota3A : vector<1x1024xi32> to vector<1x1024xf32>
    %get3A_9 = arith.constant 0 : index
    %get3A_10 = arith.constant 0 : index
    %get3A_11 = vector.load %arg2[%get3A_9, %get3A_10] : memref<8192x256xf32, #tpu.memory_space<vmem>>, vector<1024x256xf32>
    %dot_general3A = arith.constant dense<0.000000e+00> : vector<512x1024xf32>
    %dot_general3A_12 = tpu.matmul %mul3A_7, %get3A_11, %dot_general3A {dimension_numbers = #tpu.dot_dimension_numbers<[1], [1], [0], [0], [0, 0, 1, 0], [], []>, transpose_lhs_hint = false} : vector<512x256xf32>, vector<1024x256xf32>, vector<512x1024xf32> -> vector<512x1024xf32>
    %get3A_13 = arith.constant 1024 : index
    %get3A_14 = arith.constant 0 : index
    %get3A_15 = vector.load %arg2[%get3A_13, %get3A_14] : memref<8192x256xf32, #tpu.memory_space<vmem>>, vector<1024x256xf32>
    %dot_general3A_16 = arith.constant dense<0.000000e+00> : vector<512x1024xf32>
    %dot_general3A_17 = tpu.matmul %mul3A_7, %get3A_15, %dot_general3A_16 {dimension_numbers = #tpu.dot_dimension_numbers<[1], [1], [0], [0], [0, 0, 1, 0], [], []>, transpose_lhs_hint = false} : vector<512x256xf32>, vector<1024x256xf32>, vector<512x1024xf32> -> vector<512x1024xf32>
    %get3A_18 = arith.constant 0 : index
    %get3A_19 = arith.constant 0 : index
    %get3A_20 = vector.load %arg5[%get3A_18, %get3A_19] : memref<1x8192xf32, #tpu.memory_space<vmem>>, vector<1x1024xf32>
    %add3A = vector.broadcast %get3A_20 : vector<1x1024xf32> to vector<512x1024xf32>
    %add3A_21 = arith.addf %add3A, %dot_general3A_12 : vector<512x1024xf32>
    %broadcast_in_dim3A_22 = arith.constant 0.000000e+00 : f32
    %broadcast_in_dim3A_23 = vector.broadcast %broadcast_in_dim3A_22 : f32 to vector<512x1024xf32>
    %get3A_24 = arith.constant 2048 : index
    %get3A_25 = arith.constant 0 : index
    %get3A_26 = vector.load %arg2[%get3A_24, %get3A_25] : memref<8192x256xf32, #tpu.memory_space<vmem>>, vector<1024x256xf32>
    %dot_general3A_27 = arith.constant dense<0.000000e+00> : vector<512x1024xf32>
    %dot_general3A_28 = tpu.matmul %mul3A_7, %get3A_26, %dot_general3A_27 {dimension_numbers = #tpu.dot_dimension_numbers<[1], [1], [0], [0], [0, 0, 1, 0], [], []>, transpose_lhs_hint = false} : vector<512x256xf32>, vector<1024x256xf32>, vector<512x1024xf32> -> vector<512x1024xf32>
    %get3A_29 = arith.constant 0 : index
    %get3A_30 = arith.constant 1024 : index
    %get3A_31 = vector.load %arg5[%get3A_29, %get3A_30] : memref<1x8192xf32, #tpu.memory_space<vmem>>, vector<1x1024xf32>
    %add3A_32 = vector.broadcast %get3A_31 : vector<1x1024xf32> to vector<512x1024xf32>
    %add3A_33 = arith.addf %add3A_32, %dot_general3A_17 : vector<512x1024xf32>
    %lt3A = arith.cmpf olt, %add3A_33, %add3A_21 : vector<512x1024xf32>
    %jit3A = arith.constant 1.000000e+00 : f32
    %broadcast_in_dim3A_34 = vector.broadcast %jit3A : f32 to vector<512x1024xf32>
    %select_n3A = arith.select %lt3A, %broadcast_in_dim3A_34, %broadcast_in_dim3A_23 : vector<512x1024xi1>, vector<512x1024xf32>
    %min3A = arith.minimumf %add3A_21, %add3A_33 : vector<512x1024xf32>
    %get3A_35 = arith.constant 3072 : index
    %get3A_36 = arith.constant 0 : index
    %get3A_37 = vector.load %arg2[%get3A_35, %get3A_36] : memref<8192x256xf32, #tpu.memory_space<vmem>>, vector<1024x256xf32>
    %dot_general3A_38 = arith.constant dense<0.000000e+00> : vector<512x1024xf32>
    %dot_general3A_39 = tpu.matmul %mul3A_7, %get3A_37, %dot_general3A_38 {dimension_numbers = #tpu.dot_dimension_numbers<[1], [1], [0], [0], [0, 0, 1, 0], [], []>, transpose_lhs_hint = false} : vector<512x256xf32>, vector<1024x256xf32>, vector<512x1024xf32> -> vector<512x1024xf32>
    %get3A_40 = arith.constant 0 : index
    %get3A_41 = arith.constant 2048 : index
    %get3A_42 = vector.load %arg5[%get3A_40, %get3A_41] : memref<1x8192xf32, #tpu.memory_space<vmem>>, vector<1x1024xf32>
    %add3A_43 = vector.broadcast %get3A_42 : vector<1x1024xf32> to vector<512x1024xf32>
    %add3A_44 = arith.addf %add3A_43, %dot_general3A_28 : vector<512x1024xf32>
    %lt3A_45 = arith.cmpf olt, %add3A_44, %min3A : vector<512x1024xf32>
    %jit3A_46 = arith.constant 2.000000e+00 : f32
    %broadcast_in_dim3A_47 = vector.broadcast %jit3A_46 : f32 to vector<512x1024xf32>
    %select_n3A_48 = arith.select %lt3A_45, %broadcast_in_dim3A_47, %select_n3A : vector<512x1024xi1>, vector<512x1024xf32>
    %min3A_49 = arith.minimumf %min3A, %add3A_44 : vector<512x1024xf32>
    %get3A_50 = arith.constant 4096 : index
    %get3A_51 = arith.constant 0 : index
    %get3A_52 = vector.load %arg2[%get3A_50, %get3A_51] : memref<8192x256xf32, #tpu.memory_space<vmem>>, vector<1024x256xf32>
    %dot_general3A_53 = arith.constant dense<0.000000e+00> : vector<512x1024xf32>
    %dot_general3A_54 = tpu.matmul %mul3A_7, %get3A_52, %dot_general3A_53 {dimension_numbers = #tpu.dot_dimension_numbers<[1], [1], [0], [0], [0, 0, 1, 0], [], []>, transpose_lhs_hint = false} : vector<512x256xf32>, vector<1024x256xf32>, vector<512x1024xf32> -> vector<512x1024xf32>
    %get3A_55 = arith.constant 0 : index
    %get3A_56 = arith.constant 3072 : index
    %get3A_57 = vector.load %arg5[%get3A_55, %get3A_56] : memref<1x8192xf32, #tpu.memory_space<vmem>>, vector<1x1024xf32>
    %add3A_58 = vector.broadcast %get3A_57 : vector<1x1024xf32> to vector<512x1024xf32>
    %add3A_59 = arith.addf %add3A_58, %dot_general3A_39 : vector<512x1024xf32>
    %lt3A_60 = arith.cmpf olt, %add3A_59, %min3A_49 : vector<512x1024xf32>
    %jit3A_61 = arith.constant 3.000000e+00 : f32
    %broadcast_in_dim3A_62 = vector.broadcast %jit3A_61 : f32 to vector<512x1024xf32>
    %select_n3A_63 = arith.select %lt3A_60, %broadcast_in_dim3A_62, %select_n3A_48 : vector<512x1024xi1>, vector<512x1024xf32>
    %min3A_64 = arith.minimumf %min3A_49, %add3A_59 : vector<512x1024xf32>
    %get3A_65 = arith.constant 5120 : index
    %get3A_66 = arith.constant 0 : index
    %get3A_67 = vector.load %arg2[%get3A_65, %get3A_66] : memref<8192x256xf32, #tpu.memory_space<vmem>>, vector<1024x256xf32>
    %dot_general3A_68 = arith.constant dense<0.000000e+00> : vector<512x1024xf32>
    %dot_general3A_69 = tpu.matmul %mul3A_7, %get3A_67, %dot_general3A_68 {dimension_numbers = #tpu.dot_dimension_numbers<[1], [1], [0], [0], [0, 0, 1, 0], [], []>, transpose_lhs_hint = false} : vector<512x256xf32>, vector<1024x256xf32>, vector<512x1024xf32> -> vector<512x1024xf32>
    %get3A_70 = arith.constant 0 : index
    %get3A_71 = arith.constant 4096 : index
    %get3A_72 = vector.load %arg5[%get3A_70, %get3A_71] : memref<1x8192xf32, #tpu.memory_space<vmem>>, vector<1x1024xf32>
    %add3A_73 = vector.broadcast %get3A_72 : vector<1x1024xf32> to vector<512x1024xf32>
    %add3A_74 = arith.addf %add3A_73, %dot_general3A_54 : vector<512x1024xf32>
    %lt3A_75 = arith.cmpf olt, %add3A_74, %min3A_64 : vector<512x1024xf32>
    %jit3A_76 = arith.constant 4.000000e+00 : f32
    %broadcast_in_dim3A_77 = vector.broadcast %jit3A_76 : f32 to vector<512x1024xf32>
    %select_n3A_78 = arith.select %lt3A_75, %broadcast_in_dim3A_77, %select_n3A_63 : vector<512x1024xi1>, vector<512x1024xf32>
    %min3A_79 = arith.minimumf %min3A_64, %add3A_74 : vector<512x1024xf32>
    %get3A_80 = arith.constant 6144 : index
    %get3A_81 = arith.constant 0 : index
    %get3A_82 = vector.load %arg2[%get3A_80, %get3A_81] : memref<8192x256xf32, #tpu.memory_space<vmem>>, vector<1024x256xf32>
    %dot_general3A_83 = arith.constant dense<0.000000e+00> : vector<512x1024xf32>
    %dot_general3A_84 = tpu.matmul %mul3A_7, %get3A_82, %dot_general3A_83 {dimension_numbers = #tpu.dot_dimension_numbers<[1], [1], [0], [0], [0, 0, 1, 0], [], []>, transpose_lhs_hint = false} : vector<512x256xf32>, vector<1024x256xf32>, vector<512x1024xf32> -> vector<512x1024xf32>
    %get3A_85 = arith.constant 0 : index
    %get3A_86 = arith.constant 5120 : index
    %get3A_87 = vector.load %arg5[%get3A_85, %get3A_86] : memref<1x8192xf32, #tpu.memory_space<vmem>>, vector<1x1024xf32>
    %add3A_88 = vector.broadcast %get3A_87 : vector<1x1024xf32> to vector<512x1024xf32>
    %add3A_89 = arith.addf %add3A_88, %dot_general3A_69 : vector<512x1024xf32>
    %lt3A_90 = arith.cmpf olt, %add3A_89, %min3A_79 : vector<512x1024xf32>
    %jit3A_91 = arith.constant 5.000000e+00 : f32
    %broadcast_in_dim3A_92 = vector.broadcast %jit3A_91 : f32 to vector<512x1024xf32>
    %select_n3A_93 = arith.select %lt3A_90, %broadcast_in_dim3A_92, %select_n3A_78 : vector<512x1024xi1>, vector<512x1024xf32>
    %min3A_94 = arith.minimumf %min3A_79, %add3A_89 : vector<512x1024xf32>
    %get3A_95 = arith.constant 7168 : index
    %get3A_96 = arith.constant 0 : index
    %get3A_97 = vector.load %arg2[%get3A_95, %get3A_96] : memref<8192x256xf32, #tpu.memory_space<vmem>>, vector<1024x256xf32>
    %dot_general3A_98 = arith.constant dense<0.000000e+00> : vector<512x1024xf32>
    %dot_general3A_99 = tpu.matmul %mul3A_7, %get3A_97, %dot_general3A_98 {dimension_numbers = #tpu.dot_dimension_numbers<[1], [1], [0], [0], [0, 0, 1, 0], [], []>, transpose_lhs_hint = false} : vector<512x256xf32>, vector<1024x256xf32>, vector<512x1024xf32> -> vector<512x1024xf32>
    %get3A_100 = arith.constant 0 : index
    %get3A_101 = arith.constant 6144 : index
    %get3A_102 = vector.load %arg5[%get3A_100, %get3A_101] : memref<1x8192xf32, #tpu.memory_space<vmem>>, vector<1x1024xf32>
    %add3A_103 = vector.broadcast %get3A_102 : vector<1x1024xf32> to vector<512x1024xf32>
    %add3A_104 = arith.addf %add3A_103, %dot_general3A_84 : vector<512x1024xf32>
    %lt3A_105 = arith.cmpf olt, %add3A_104, %min3A_94 : vector<512x1024xf32>
    %jit3A_106 = arith.constant 6.000000e+00 : f32
    %broadcast_in_dim3A_107 = vector.broadcast %jit3A_106 : f32 to vector<512x1024xf32>
    %select_n3A_108 = arith.select %lt3A_105, %broadcast_in_dim3A_107, %select_n3A_93 : vector<512x1024xi1>, vector<512x1024xf32>
    %min3A_109 = arith.minimumf %min3A_94, %add3A_104 : vector<512x1024xf32>
    %get3A_110 = arith.constant 0 : index
    %get3A_111 = arith.constant 7168 : index
    %get3A_112 = vector.load %arg5[%get3A_110, %get3A_111] : memref<1x8192xf32, #tpu.memory_space<vmem>>, vector<1x1024xf32>
    %add3A_113 = vector.broadcast %get3A_112 : vector<1x1024xf32> to vector<512x1024xf32>
    %add3A_114 = arith.addf %add3A_113, %dot_general3A_99 : vector<512x1024xf32>
    %lt3A_115 = arith.cmpf olt, %add3A_114, %min3A_109 : vector<512x1024xf32>
    %jit3A_116 = arith.constant 7.000000e+00 : f32
    %broadcast_in_dim3A_117 = vector.broadcast %jit3A_116 : f32 to vector<512x1024xf32>
    %select_n3A_118 = arith.select %lt3A_115, %broadcast_in_dim3A_117, %select_n3A_108 : vector<512x1024xi1>, vector<512x1024xf32>
    %min3A_119 = arith.minimumf %min3A_109, %add3A_114 : vector<512x1024xf32>
    %reduce_min3A = arith.constant dense<0x7F800000> : vector<512xf32>
    %reduce_min3A_120 = vector.multi_reduction <minimumf>, %min3A_119, %reduce_min3A [1] : vector<512x1024xf32> to vector<512xf32>
    %broadcast_in_dim3A_121 = vector.shape_cast %reduce_min3A_120 : vector<512xf32> to vector<512x1xf32>
    %eq3A_122 = vector.broadcast %broadcast_in_dim3A_121 : vector<512x1xf32> to vector<512x1024xf32>
    %eq3A_123 = arith.cmpf oeq, %min3A_119, %eq3A_122 : vector<512x1024xf32>
    %mul3A_124 = arith.constant 1.024000e+03 : f32
    %mul3A_125 = vector.broadcast %mul3A_124 : f32 to vector<512x1024xf32>
    %mul3A_126 = arith.mulf %select_n3A_118, %mul3A_125 : vector<512x1024xf32>
    %add3A_127 = vector.broadcast %convert_element_type3A_8 : vector<1x1024xf32> to vector<512x1024xf32>
    %add3A_128 = arith.addf %mul3A_126, %add3A_127 : vector<512x1024xf32>
    %jit3A_129 = arith.constant 1.000000e+09 : f32
    %broadcast_in_dim3A_130 = vector.broadcast %jit3A_129 : f32 to vector<512x1024xf32>
    %select_n3A_131 = arith.select %eq3A_123, %add3A_128, %broadcast_in_dim3A_130 : vector<512x1024xi1>, vector<512x1024xf32>
    %reduce_min3A_132 = arith.constant dense<0x7F800000> : vector<512xf32>
    %reduce_min3A_133 = vector.multi_reduction <minimumf>, %select_n3A_131, %reduce_min3A_132 [1] : vector<512x1024xf32> to vector<512xf32>
    %broadcast_in_dim3A_134 = vector.shape_cast %reduce_min3A_133 : vector<512xf32> to vector<512x1xf32>
    %convert_element_type3A_135 = arith.fptosi %broadcast_in_dim3A_134 : vector<512x1xf32> to vector<512x1xi32>
    %reshape3A = vector.shape_cast %convert_element_type3A_135 : vector<512x1xi32> to vector<1x1x512xi32>
    %swap3A = arith.constant 0 : index
    %swap3A_136 = arith.constant 0 : index
    %swap3A_137 = arith.constant 0 : index
    %swap3A_138 = vector.load %arg3[%swap3A, %swap3A_136, %swap3A_137] : memref<1x1x512xi32, #tpu.memory_space<vmem>>, vector<1x1x512xi32>
    tpu.vector_store %arg3[%swap3A, %swap3A_136, %swap3A_137], %reshape3A {strides = array<i32>} : memref<1x1x512xi32, #tpu.memory_space<vmem>>, vector<1x1x512xi32>,
    %add3A_139 = arith.addf %broadcast_in_dim3A, %broadcast_in_dim3A_121 : vector<512x1xf32>
    %reshape3A_140 = vector.shape_cast %add3A_139 : vector<512x1xf32> to vector<1x1x512xf32>
    %swap3A_141 = arith.constant 0 : index
    %swap3A_142 = arith.constant 0 : index
    %swap3A_143 = arith.constant 0 : index
    %swap3A_144 = vector.load %arg4[%swap3A_141, %swap3A_142, %swap3A_143] : memref<1x1x512xf32, #tpu.memory_space<vmem>>, vector<1x1x512xf32>
    tpu.vector_store %arg4[%swap3A_141, %swap3A_142, %swap3A_143], %reshape3A_140 {strides = array<i32>} : memref<1x1x512xf32, #tpu.memory_space<vmem>>, vector<1x1x512xf32>,
    return
  }
  func.func @transform_0(%arg0: i32) -> (i32, i32) {
    %c0_i32 = arith.constant 0 : i32
    %c0_i32_0 = arith.constant 0 : i32
    return %arg0, %c0_i32 : i32, i32
  }
  func.func @transform_1(%arg0: i32) -> (i32, i32) {
    %c0_i32 = arith.constant 0 : i32
    %c0_i32_0 = arith.constant 0 : i32
    %c0_i32_1 = arith.constant 0 : i32
    return %c0_i32, %c0_i32_0 : i32, i32
  }
  func.func @transform_2(%arg0: i32) -> (i32, i32, i32) {
    %c0_i32 = arith.constant 0 : i32
    %c0_i32_0 = arith.constant 0 : i32
    %c0_i32_1 = arith.constant 0 : i32
    return %arg0, %c0_i32, %c0_i32_0 : i32, i32, i32
  }
  func.func @transform_3(%arg0: i32) -> (i32, i32, i32) {
    %c0_i32 = arith.constant 0 : i32
    %c0_i32_0 = arith.constant 0 : i32
    %c0_i32_1 = arith.constant 0 : i32
    return %arg0, %c0_i32, %c0_i32_0 : i32, i32, i32
  }
}

</mosaic_0001>

<sc_bundles>
// kernel: kernel.4.cloned.1.call-start
scs
__scs_entry_jumppad:
0x0: {  	(pc) =	sbr.rel $0x88, $3  }
0x1: {  	(tag) =	ssettag $0x0;
	lr =	simm.s32 $0x1  }
0x2: {  	[smem:$0x3F9F] =	sst lr;
	_ =	strace $0xD0000000  }
0x3: {  	_ = 	snop  }
0x4: {  	_ = 	snop  }
0x5: {  	_ = 	snop  }
0x6: {  	_ = 	snop  }
0x7: {  	_ = 	snop  }
__scs_overlays_trampoline_lowered:
0x8: {  	[smem:$0x3FAE] =	sst s0  }
0x9: {  	[smem:$0x3FAF] =	sst s1  }
0xa: {  	[smem:$0x3FB0] =	sst s2  }
0xb: {  	[smem:$0x3FB1] =	sst s3  }
0xc: {  	[smem:$0x3FB2] =	sst s4  }
0xd: {  	[smem:$0x3FB3] =	sst s5  }
0xe: {  	[smem:$0x3FB4] =	sst s6  }
0xf: {  	[smem:$0x3FB5] =	sst s7  }
0x10: {  	[smem:$0x3FB6] =	sst s8  }
0x11: {  	[smem:$0x3FB7] =	sst s9;
	s0 =	simm.s32 @!p0 $0x0  }
0x12: {  	s1 =	sld [smem:$0x3F9D];
	s0 =	simm.s32 @p0 $0x1  }
0x13: {  	[smem:$0x3FB8] =	sst s0;
	s0 =	simm.s32 @!p1 $0x0  }
0x14: {  	s2 =	sld [smem:$0x3F9C];
	s0 =	simm.s32 @p1 $0x1  }
0x15: {  	[smem:$0x3FB9] =	sst s0;
	s0 =	simm.s32 @!p2 $0x0  }
0x16: {  	s3 =	sld [smem:$0x3FDB];
	s0 =	simm.s32 @p2 $0x1  }
0x17: {  	s4 =	simm.s32 $0x1BF5;
	[smem:$0x3FBB] =	sst s0  }
0x18: {  	s0 =	sld [smem:$0x3F9E];
	_ =	swait.ge [sflag:s4], $0x0  }
0x19: {  	s7 =	sld [smem:$0x3F9F]  }
0x1a: {  	s8 =	sadd.s32 $0xFFFFE003, lr  }
0x1b: {  	s9 =	sadd.s32 $0xFFFFFEF7, lr;
	s5 =	simm.s32 $0xFFFFFFFF;
	p2 =	slt.u32 s8, $0xFFFFF086  }
0x1c: {  	p1 =	slt.u32 s9, $0xF7A;
	s5 =	simm.s32 @!p2 $0x0  }
0x1d: {  	s5 =	simm.s32 @p1 $0x1;
	p0 =	seq.s32 s7, s2  }
0x1e: {  	s7 =	smul.u32 @!p0 $0xF7A, s2;
	p2 =	seq.s32 @!p0 s5, $0x0  }
0x1f: {  	s9 =	smul.u32 $0xF7A, s1;
	s8 =	simm.s32 @!p0 $0x1BF5;
	p2 =	por !p2, p0  }
0x20: {  	[sflag:s8] =	ssyncset.s32 @!p0 $0xFFFFF086;
	s6 =	sadd.s32 @!p0 s3, s7;
	s7 =	simm.s32 @!p0 $0x108  }
0x21: {  	s3 =	sadd.s32 s3, s9;
	s6 =	sadd.s32 @!p0 $0x88, s6;
	s7 =	simm.s32 @p2 $0x1082  }
0x22: {  	[simem:s7], [sflag:s8] =	dma.local @!p0 [hbm:s6], $0xF7A  }
0x23: {  	s9 =	sor.u32 $0xD0000000, s2;
	s6 =	simm.s32 $0x108;
	_ =	swait.ge @!p0 [sflag:s8], $0x0  }
0x24: {  	s3 =	sadd.s32 $0x88, s3;
	s6 =	simm.s32 @!p1 $0x1082;
	[sflag:s4] =	ssyncset.s32 $0xFFFFF086  }
0x25: {  	[simem:s6], [sflag:s4] =	dma.local [hbm:s3], $0xF7A  }
0x26: {  	[smem:$0x3F9F] =	sst s1;
	(tag) =	ssettag s2;
	_ =	strace s9  }
0x27: {  	s1 =	sld [smem:$0x3FAF]  }
0x28: {  	s2 =	sld [smem:$0x3FB0]  }
0x29: {  	s4 =	sld [smem:$0x3FB2]  }
0x2a: {  	p0 =	seq.s32 s5, $0x0;
	s5 =	sld [smem:$0x3FB3]  }
0x2b: {  	s6 =	sld [smem:$0x3FB4]  }
0x2c: {  	s7 =	sld [smem:$0x3FB5]  }
0x2d: {  	s3 =	simm.s32 $0x108;
	s8 =	sld [smem:$0x3FB6]  }
0x2e: {  	s3 =	simm.s32 @!p0 $0x1082;
	s9 =	sld [smem:$0x3FB7]  }
0x2f: {  	lr =	sadd.s32 s0, s3;
	s0 =	sld [smem:$0x3FAE]  }
0x30: {  	s3 =	sld [smem:$0x3FB1]  }
0x31: {  	[smem:$0x3FBA] =	sst s10  }
0x32: {  	s10 =	sld [smem:$0x3FB8];
	_ =	sdelay $0x3  }
0x33: {  	p0 =	seq.s32 s10, $0x1;
	s10 =	sld [smem:$0x3FBA];
	_ =	sdelay $0x3  }
0x34: {  	[smem:$0x3FBA] =	sst s10  }
0x35: {  	s10 =	sld [smem:$0x3FB9];
	_ =	sdelay $0x3  }
0x36: {  	p1 =	seq.s32 s10, $0x1;
	s10 =	sld [smem:$0x3FBA];
	_ =	sdelay $0x3  }
0x37: {  	[smem:$0x3FBA] =	sst s10  }
0x38: {  	s10 =	sld [smem:$0x3FBB]  }
0x39: {  	_ = 	snop;
	(pc) =	sbr.ind lr, $3  }
0x3a: {  	_ = 	snop  }
0x3b: {  	_ = 	snop  }
0x3c: {  	p2 =	seq.s32 s10, $0x1;
	s10 =	sld [smem:$0x3FBA]  }
0x3d: {  	_ =	shalt  }
0x3e: {  	_ =	shalt  }
0x3f: {  	_ =	shalt  }
0x40: {  	_ =	shalt  }
0x41: {  	_ =	shalt  }
0x42: {  	_ =	shalt  }
0x43: {  	_ =	shalt  }
0x44: {  	_ =	shalt  }
0x45: {  	_ =	shalt  }
0x46: {  	_ =	shalt  }
0x47: {  	_ =	shalt  }
0x48: {  	_ =	shalt  }
0x49: {  	_ =	shalt  }
0x4a: {  	_ =	shalt  }
0x4b: {  	_ =	shalt  }
0x4c: {  	_ =	shalt  }
0x4d: {  	_ =	shalt  }
0x4e: {  	_ =	shalt  }
0x4f: {  	_ =	shalt  }
0x50: {  	_ =	shalt  }
0x51: {  	_ =	shalt  }
0x52: {  	_ =	shalt  }
0x53: {  	_ =	shalt  }
0x54: {  	_ =	shalt  }
0x55: {  	_ =	shalt  }
0x56: {  	_ =	shalt  }
0x57: {  	_ =	shalt  }
0x58: {  	_ =	shalt  }
0x59: {  	_ =	shalt  }
0x5a: {  	_ =	shalt  }
0x5b: {  	_ =	shalt  }
0x5c: {  	_ =	shalt  }
0x5d: {  	_ =	shalt  }
0x5e: {  	_ =	shalt  }
0x5f: {  	_ =	shalt  }
0x60: {  	_ =	shalt  }
0x61: {  	_ =	shalt  }
0x62: {  	_ =	shalt  }
0x63: {  	_ =	shalt  }
0x64: {  	_ =	shalt  }
0x65: {  	_ =	shalt  }
0x66: {  	_ =	shalt  }
0x67: {  	_ =	shalt  }
0x68: {  	_ =	shalt  }
0x69: {  	_ =	shalt  }
0x6a: {  	_ =	shalt  }
0x6b: {  	_ =	shalt  }
0x6c: {  	_ =	shalt  }
0x6d: {  	_ =	shalt  }
0x6e: {  	_ =	shalt  }
0x6f: {  	_ =	shalt  }
0x70: {  	_ =	shalt  }
0x71: {  	_ =	shalt  }
0x72: {  	_ =	shalt  }
0x73: {  	_ =	shalt  }
0x74: {  	_ =	shalt  }
0x75: {  	_ =	shalt  }
0x76: {  	_ =	shalt  }
0x77: {  	_ =	shalt  }
0x78: {  	_ =	shalt  }
0x79: {  	_ =	shalt  }
0x7a: {  	_ =	shalt  }
0x7b: {  	_ =	shalt  }
0x7c: {  	_ =	shalt  }
0x7d: {  	_ =	shalt  }
0x7e: {  	_ =	shalt  }
0x7f: {  	_ =	shalt  }
0x80: {  	_ =	shalt  }
0x81: {  	_ =	shalt  }
0x82: {  	_ =	shalt  }
0x83: {  	_ =	shalt  }
0x84: {  	_ =	shalt  }
0x85: {  	_ =	shalt  }
0x86: {  	_ =	shalt  }
0x87: {  	_ =	shalt  }
.Lfunc_end0:
.L_simem_size_0:
called_computation_lowered:
.L_overlay_start_0:
0x88: {  	s2 =	sld [smem:$0x3FD9]  }
0x89: {  	s3 =	sld [smem:$0x3FFE];
	_ =	sdelay $0x1  }
0x8a: {  	s1 =	srdreg.scid  }
0x8b: {  	s0 =	sand.u32 $0x1, s1  }
0x8c: {  	s14 =	sshll.u32 s0, $0xA;
	s2 =	sadd.s32 s3, s2  }
0x8d: {  	s2 =	sadd.s32 s2, s14  }
0x8e: {  	[smem:$0x3FC6] =	sst s2  }
0x8f: {  	_ = 	snop  }
0x90: {  	s2 =	sld [smem:$0x3FD0];
	_ =	sdelay $0x2  }
0x91: {  	s4 =	simm.s32 $0xA;
	s5 =	simm.s32 $0x10;
	s15 =	sld [smem:$0x3FC8]  }
0x92: {  	[smem:s5], [sflag:s4] =	dma.local [hbm:s2], $0x1  }
0x93: {  	_ =	swait.eq [sflag:s4], $0x1  }
0x94: {  	[sflag:s4] =	ssyncset.done $0x0  }
0x95: {  	[sflag:s4] =	ssyncadd.s32 $0xFFFFFFFF  }
0x96: {  	s16 =	sld [smem:$0x10];
	(tm) =	ssettm $0x1  }
0x97: {  	s17 =	sld [smem:$0x3FFB];
	_ =	sdelay $0x3  }
0x98: {  	_ =	strace s17  }
0x99: {  	s4 =	sld [smem:$0x3FFC];
	_ =	sdelay $0x3  }
0x9a: {  	_ =	strace s4  }
0x9b: {  	s4 =	sld [smem:$0x3FFD];
	_ =	sdelay $0x3  }
0x9c: {  	_ =	strace s4  }
0x9d: {  	_ =	strace $0x8FFFFFFF  }
0x9e: {  	s18 =	sld [smem:$0x3FDB];
	_ =	sdelay $0x1  }
0x9f: {  	s19 =	simm.s32 $_scs_section_size  }
0xa0: {  	s6 =	simm.s32 $_size__tile_overlayer_lowered;
	s7 =	simm.s32 $_tile_overlayer_lowered  }
0xa1: {  	s22 =	simm.s32 $0x1BFF;
	s21 =	sshll.u32 s7, $0x1;
	s4 =	sadd.s32 s19, s18  }
0xa2: {  	s8 =	simm.s32 $0x0;
	s20 =	sshll.u32 s6, $0x1;
	s6 =	sadd.s32 s21, s4  }
0xa3: {  	[timem:s8], [sflag:s22] =	dma.local [hbm:s6], s20  }
0xa4: {  	_ =	swait.ge [sflag:s22], s20  }
0xa5: {  	s5 =	ssub.s32 $0x0, s20;
	[sflag:s22] =	ssyncset.done $0x0  }
0xa6: {  	[sflag:s22] =	ssyncadd.s32 s5;
	_ =	sdelay $0x1  }
0xa7: {  	s23 =	simm.s32 $0x1B8B  }
0xa8: {  	_ =	swait.ge [sflag:s23], $0x1  }
0xa9: {  	[sflag:s23] =	ssyncset.done $0x0  }
0xaa: {  	s25 =	simm.s32 $0x1B8E;
	s24 =	sld [smem:$0x3FFE];
	[sflag:s23] =	ssyncadd.s32 $0xFFFFFFFF  }
0xab: {  	s26 =	simm.s32 $execute0_lowered;
	[smem:$0x3FD2] =	sst s25  }
0xac: {  	s6 =	sshll.u32 s26, $0x1;
	_ =	strace $0x80000046;
	[dreg:$0x1] =	wrdreg $0xFFFFFFFF  }
0xad: {  	s28 =	simm.s32 $_size_execute0_lowered;
	s4 =	sadd.s32 s4, s6;
	[dreg:$0x0] =	wrdreg $0x0  }
0xae: {  	s6 =	sshll.u32 s28, $0x1;
	[dreg:$0x2] =	wrdreg s4  }
0xaf: {  	[dreg:$0x3] =	wrdreg s6  }
0xb0: {  	[dreg:$0x4] =	wrdreg $0xC0  }
0xb1: {  	_ =	task [dreg:s8], $0x5FFFF  }
0xb2: {  	[dreg:$0x1] =	wrdreg $0xFFFFFFFF  }
0xb3: {  	[dreg:$0x0] =	wrdreg $0x60  }
0xb4: {  	[dreg:$0x2] =	wrdreg s15  }
0xb5: {  	[dreg:$0x3] =	wrdreg s24  }
0xb6: {  	[dreg:$0x4] =	wrdreg s16  }
0xb7: {  	[dreg:$0x5] =	wrdreg $0x9  }
0xb8: {  	_ =	task.clear_ibuf [dreg:s8], $0x6FFFF;
	_ =	strace $0x90000046  }
0xb9: {  	s29 =	simm.s32 $0x9;
	_ =	strace $0x8000004F  }
0xba: {  	_ =	swait.ge [sflag:s29], $0x1  }
0xbb: {  	[sflag:s29] =	ssyncadd.s32 $0xFFFFFFFF  }
0xbc: {  	_ =	strace $0x9000004F  }
0xbd: {  	_ =	sfence  }
0xbe: {  	s30 =	sld [smem:$0x0];
	_ =	sdelay $0x2  }
0xbf: {  	s31 =	sshll.u32 s1, $0xD;
	s1 =	sshrl.u32 s1, $0x2  }
0xc0: {  	s3 =	sand.u32 $0x4000, s31;
	s1 =	sadd.s32 s1, s30  }
0xc1: {  	s0 =	sor.u32 s3, s0;
	s1 =	sshll.u32 s1, $0x11  }
0xc2: {  	s0 =	sor.u32 s1, s0  }
0xc3: {  	s0 =	sadd.s32 $0x8F2B, s0  }
0xc4: {  	[sflag:s0] =	ssyncadd.remote.s32 $0x1  }
0xc5: {  	_ =	sfence.sel $0xFFFF  }
0xc6: {  	[dreg:$0x0] =	wrdreg $0xFFFFFFFF;
	(pc) =	sbr.abs _section_cstart, $3  }
0xc7: {  	[dreg:$0x1] =	wrdreg $0xFFFFFFFF  }
0xc8: {  	_ =	task.clear_ibuf [dreg:s8], $0x2FFFF;
	_ =	strace $0x9FFFFFFF  }
0xc9: {  	(tm) =	ssettm $0x7FFFFFFF  }
tec
execute0_lowered:
.L_overlay_start_1:
0x0: {  	(tag) =	ssettag $0x1  }
0x1: {  	s1 =	srdreg.scid  }
0x2: {  	s0 =	stileid.u32;
	s7 =	rddreg [dreg:$0x1];
	s6 =	sand.u32 $0x1, s1  }
0x3: {  	s4 =	rddreg [dreg:$0x2];
	s2 =	sshll.u32 s0, $0x1;
	s1 =	sshll.u32 s6, $0x5  }
0x4: {  	s8 =	simm.s32 $0x1;
	s3 =	sand.u32 $0x1, s0;
	s1 =	sor.u32 s2, s1  }
0x5: {  	s5 =	simm.s32 $0x0;
	p1 =	seq.s32 s3, $0x1;
	p0 =	seq.s32 s1, $0x0  }
0x6: {  	s11 =	simm.s32 $0x0;
	[smem:$0x7FF] =	sst s5;
	p0 =	por !p0, !p1  }
0x7: {  	s26 =	sshll.u32 s0, $0x8;
	s3 =	rddreg [dreg:$0x3];
	p0 =	por !p0, !p0  }
0x8: {  	s10 =	ssub.s32 $0x2, s6;
	s9 =	sshrl.u32 s1, $0x2;
	s8 =	simm.s32 @!p0 $0x0  }
.Ltmp0:
0x9: {  	s29 =	sand.u32 $0x100, s26;
	s8 =	ssub.s32 s9, s8;
	(pc) =	sbr.rel .LBB2_1-.Ltmp0, $4  }
0xa: {  	s6 =	sadd.s32 $0x800, s7;
	s2 =	rddreg [dreg:$0x0];
	s28 =	sshll.u32 s8, $0x9  }
0xb: {  	v2 =	vlaneseq.u32;
	s30 =	sshrl.u32 s10, $0x1;
	_ =	strace $0x80000047;
	s8 =	sor.u32 s29, s28  }
0xc: {  	vm0 =	vmmov $0xffff;
	v1 =	vshrl.u32 v2, $0x3;
	s9 =	ssub.s32 s10, s30;
	s10 =	simm.s32 $0x4;
	s31 =	sshrl.u32 s8, $0x3  }
0xd: {  	v0 =	vand.u32 $0x7, v2;
	v2 =	vor.u32 $0x8, v2;
	v1 =	vmul.u32 $0x8, v1;
	s8 =	smax.u32 s9, $0x1;
	s9 =	simm.s32 $0x5;
	s7 =	sadd.s32 s6, s31  }
.LBB2_4:
0xe: {  	s12 =	sand.u32 $0x1, s12  }
0xf: {  	_ =	strace $0x8000004D;
	s12 =	sadd.s32 $0x3, s12  }
0x10: {  	_ =	swait.ge [sflag:s12], $0x8000  }
0x11: {  	[sflag:s12] =	ssyncset.done $0x0  }
0x12: {  	s11 =	sadd.s32 $0x1, s11;
	[sflag:s12] =	ssyncadd.s32 $0xFFFF8000  }
0x13: {  	p0 =	sne.s32 s11, s8;
	_ =	strace $0x9000004D  }
.Ltmp1:
0x14: {  	_ =	strace $0x8000004E;
	(pc) =	sbr.rel @!p0 .LBB2_5-.Ltmp1, $4  }
0x15: {  	_ =	swait.ge [sflag:s10], $0x8000  }
0x16: {  	[sflag:s10] =	ssyncset.done $0x0  }
0x17: {  	[sflag:s10] =	ssyncadd.s32 $0xFFFF8000  }
0x18: {  	_ =	strace $0x9000004E  }
.LBB2_1:
0x19: {  	_ =	strace $0x80000048  }
0x1a: {  	p0 =	por $0x0, $0x0;
	p1 =	por $0x1, $0x1;
	s13 =	simm.s32 $0x0  }
0x1b: {  	s12 =	simm.s32 $0x0;
	s17 =	simm.s32 $0x0;
	s14 =	simm.s32 $0x0  }
0x1c: {  	[tilespmem:s5], [sflag:$0x1] =	stream.linear.gather [hbm4b:s7+s5], $0x80, $0x200038;
	[tilespmem:$0x10100] =	vst v63  }
0x1d: {  	s15 =	simm.s32 $0x1;
	s16 =	simm.s32 $0x0;
	_ =	strace $0x90000048  }
.LBB2_2:
0x1e: {  	s19 =	smov.u32 s13;
	s13 =	sadd.s32 $0x1, s13  }
0x1f: {  	p2 =	seq.s32 s13, $0x2  }
0x20: {  	s18 =	sadd.s32 s1, s19;
	s13 =	simm.s32 @p2 $0x0  }
0x21: {  	s21 =	sshra.s32 s18, $0x1F;
	s20 =	sadd.s32 s1, s13  }
0x22: {  	s21 =	sshrl.u32 s21, $0x1E;
	s22 =	sshra.s32 s20, $0x1F  }
0x23: {  	s21 =	sadd.s32 s21, s18;
	s22 =	sshrl.u32 s22, $0x1E  }
0x24: {  	s23 =	sshra.s32 s21, $0x2;
	s21 =	sand.u32 $0xFFFFFFFC, s21;
	s22 =	sadd.s32 s22, s20  }
0x25: {  	p5 =	slt.s32 s18, $0x1;
	p3 =	sne.s32 s18, s21;
	s30 =	sand.u32 $0xFFFFFFFC, s22  }
0x26: {  	p6 =	slt.s32 s20, $0x1;
	p2 =	por !p5, !p3;
	p4 =	sne.s32 s20, s30  }
0x27: {  	s21 =	simm.s32 $0x1;
	p2 =	por !p2, !p2;
	p3 =	por !p6, !p4  }
0x28: {  	s24 =	simm.s32 $0x1;
	s21 =	simm.s32 @!p2 $0x0;
	p2 =	por !p3, !p3  }
0x29: {  	s31 =	sand.u32 $0x3, s18;
	s22 =	sshra.s32 s22, $0x2;
	s24 =	simm.s32 @!p2 $0x0  }
0x2a: {  	s20 =	sand.u32 $0x3, s20;
	s21 =	ssub.s32 s23, s21;
	s22 =	ssub.s32 s22, s24  }
0x2b: {  	p5 =	sne.s32 s31, s20;
	p4 =	sne.s32 s21, s22  }
0x2c: {  	p2 =	por p5, p4  }
0x2d: {  	p3 =	por !p1, !p2  }
0x2e: {  	s24 =	sadd.s32 $0xFFFFFFFF, s19;
	p4 =	seq.s32 s19, $0x0;
	p3 =	por !p3, !p3  }
0x2f: {  	s24 =	simm.s32 @p4 $0x1;
	s22 =	sshll.u32 @p3 s22, $0x9;
	s20 =	sshll.u32 @p3 s20, $0x7  }
0x30: {  	s24 =	sadd.s32 s1, s24;
	_ =	strace @p3 $0x80000049;
	s20 =	sor.u32 @p3 s20, s22  }
0x31: {  	s26 =	simm.s32 @p3 $0x0;
	s22 =	sand.u32 @p3 $0x1, s15;
	s20 =	sshrl.u32 @p3 s20, $0x3  }
0x32: {  	s25 =	sshll.u32 @p3 s22, $0x7;
	s22 =	sadd.s32 @p3 $0x1, s22;
	s20 =	sadd.s32 @p3 s6, s20  }
0x33: {  	[tilespmem:s25], [sflag:s22] =	stream.linear.gather @p3 [hbm4b:s20+s26], $0x80, $0x200038;
	[tilespmem:$0x10100] =	vst v63  }
0x34: {  	s25 =	sshra.s32 s24, $0x1F  }
0x35: {  	s20 =	sshrl.u32 s25, $0x1E  }
0x36: {  	s20 =	sadd.s32 s20, s24  }
0x37: {  	s26 =	sand.u32 $0xFFFFFFFC, s20  }
0x38: {  	p6 =	slt.s32 s24, $0x1;
	p5 =	sne.s32 s24, s26  }
0x39: {  	p4 =	por !p6, !p5  }
0x3a: {  	s22 =	simm.s32 $0x1;
	p4 =	por !p4, !p4  }
0x3b: {  	s20 =	sshra.s32 s20, $0x2;
	s22 =	simm.s32 @!p4 $0x0  }
0x3c: {  	s28 =	sand.u32 $0x3, s24;
	s20 =	ssub.s32 s20, s22  }
0x3d: {  	p6 =	sne.s32 s31, s28;
	p5 =	sne.s32 s21, s20  }
0x3e: {  	p4 =	por p6, p5  }
0x3f: {  	p4 =	por p1, p4  }
0x40: {  	_ =	strace @p3 $0x90000049;
	s20 =	sand.u32 @p4 $0x1, s14  }
0x41: {  	_ =	strace @p4 $0x8000004A;
	s20 =	sadd.s32 @p4 $0x1, s20  }
0x42: {  	_ =	swait.ge @p4 [sflag:s20], $0x80  }
0x43: {  	[sflag:s20] =	ssyncset.done @p4 $0x0  }
0x44: {  	[sflag:s20] =	ssyncadd.s32 @p4 $0xFFFFFF80  }
0x45: {  	s29 =	sshll.u32 s14, $0x7;
	_ =	strace @p4 $0x9000004A  }
0x46: {  	s23 =	sand.u32 $0x80, s29;
	_ =	strace $0x8000004B  }
0x47: {  	v3 =	vld [tilespmem:s23+$0x0];
	_ =	sdelay $0x4  }
0x48: {  	v4 =	vshll.u32 v3, $0x1  }
0x49: {  	v3 =	vand.u32 $0x7, v3;
	v4 =	vand.u32 $0xFFFFFFF0, v4  }
0x4a: {  	v3 =	vor.u32 v3, v4  }
0x4b: {  	v4 =	vperm.xlane v3, v0;
	_ =	sdelay $0x1  }
0x4c: {  	v3 =	vperm.xlane v3, v2;
	v4 =	vadd.s32 v1, v4;
	_ =	sdelay $0x1  }
0x4d: {  	s20 =	sand.u32 $0x1, s17;
	v3 =	vadd.s32 v1, v3  }
0x4e: {  	s22 =	sshll.u32 s20, $0xF  }
0x4f: {  	s21 =	sor.u32 $0x100, s22  }
0x50: {  	[tilespmem:s21], [sflag:$0x5] =	stream.indirect_vreg.gather [hbm4b:s2+s5], $0x80, v4, vm0, $0x2000b8;
	[tilespmem:$0x10100] =	vst v63  }
0x51: {  	s30 =	sor.u32 $0x900, s22  }
0x52: {  	[tilespmem:s30], [sflag:$0x5] =	stream.indirect_vreg.gather [hbm4b:s2+s5], $0x80, v3, vm0, $0x2000b8;
	[tilespmem:$0x10100] =	vst v63  }
0x53: {  	v3 =	vld [tilespmem:s23+$0x10];
	_ =	sdelay $0x4  }
0x54: {  	v57 =	vshll.u32 v3, $0x1  }
0x55: {  	v3 =	vand.u32 $0x7, v3;
	v4 =	vand.u32 $0xFFFFFFF0, v57  }
0x56: {  	v3 =	vor.u32 v3, v4  }
0x57: {  	v4 =	vperm.xlane v3, v0;
	_ =	sdelay $0x1  }
0x58: {  	v3 =	vperm.xlane v3, v2;
	v4 =	vadd.s32 v1, v4;
	_ =	sdelay $0x1  }
0x59: {  	v3 =	vadd.s32 v1, v3;
	_ =	sdelay $0x1  }
0x5a: {  	s31 =	sor.u32 $0x1100, s22  }
0x5b: {  	[tilespmem:s31], [sflag:$0x5] =	stream.indirect_vreg.gather [hbm4b:s2+s5], $0x80, v4, vm0, $0x2000b8;
	[tilespmem:$0x10100] =	vst v63  }
0x5c: {  	s25 =	sor.u32 $0x1900, s22  }
0x5d: {  	[tilespmem:s25], [sflag:$0x5] =	stream.indirect_vreg.gather [hbm4b:s2+s5], $0x80, v3, vm0, $0x2000b8;
	[tilespmem:$0x10100] =	vst v63  }
0x5e: {  	v3 =	vld [tilespmem:s23+$0x20];
	_ =	sdelay $0x4  }
0x5f: {  	v58 =	vshll.u32 v3, $0x1  }
0x60: {  	v3 =	vand.u32 $0x7, v3;
	v4 =	vand.u32 $0xFFFFFFF0, v58  }
0x61: {  	v3 =	vor.u32 v3, v4  }
0x62: {  	v4 =	vperm.xlane v3, v0;
	_ =	sdelay $0x1  }
0x63: {  	v3 =	vperm.xlane v3, v2;
	v4 =	vadd.s32 v1, v4;
	_ =	sdelay $0x1  }
0x64: {  	v3 =	vadd.s32 v1, v3;
	_ =	sdelay $0x1  }
0x65: {  	s26 =	sor.u32 $0x2100, s22  }
0x66: {  	[tilespmem:s26], [sflag:$0x5] =	stream.indirect_vreg.gather [hbm4b:s2+s5], $0x80, v4, vm0, $0x2000b8;
	[tilespmem:$0x10100] =	vst v63  }
0x67: {  	s28 =	sor.u32 $0x2900, s22  }
0x68: {  	[tilespmem:s28], [sflag:$0x5] =	stream.indirect_vreg.gather [hbm4b:s2+s5], $0x80, v3, vm0, $0x2000b8;
	[tilespmem:$0x10100] =	vst v63  }
0x69: {  	v3 =	vld [tilespmem:s23+$0x30];
	_ =	sdelay $0x4  }
0x6a: {  	v59 =	vshll.u32 v3, $0x1  }
0x6b: {  	v3 =	vand.u32 $0x7, v3;
	v4 =	vand.u32 $0xFFFFFFF0, v59  }
0x6c: {  	v3 =	vor.u32 v3, v4  }
0x6d: {  	v4 =	vperm.xlane v3, v0;
	_ =	sdelay $0x1  }
0x6e: {  	v3 =	vperm.xlane v3, v2;
	v4 =	vadd.s32 v1, v4;
	_ =	sdelay $0x1  }
0x6f: {  	v3 =	vadd.s32 v1, v3;
	_ =	sdelay $0x1  }
0x70: {  	s29 =	sor.u32 $0x3100, s22  }
0x71: {  	[tilespmem:s29], [sflag:$0x5] =	stream.indirect_vreg.gather [hbm4b:s2+s5], $0x80, v4, vm0, $0x2000b8;
	[tilespmem:$0x10100] =	vst v63  }
0x72: {  	s30 =	sor.u32 $0x3900, s22  }
0x73: {  	[tilespmem:s30], [sflag:$0x5] =	stream.indirect_vreg.gather [hbm4b:s2+s5], $0x80, v3, vm0, $0x2000b8;
	[tilespmem:$0x10100] =	vst v63  }
0x74: {  	v3 =	vld [tilespmem:s23+$0x40];
	_ =	sdelay $0x4  }
0x75: {  	v60 =	vshll.u32 v3, $0x1  }
0x76: {  	v3 =	vand.u32 $0x7, v3;
	v4 =	vand.u32 $0xFFFFFFF0, v60  }
0x77: {  	v3 =	vor.u32 v3, v4  }
0x78: {  	v4 =	vperm.xlane v3, v0;
	_ =	sdelay $0x1  }
0x79: {  	v3 =	vperm.xlane v3, v2;
	v4 =	vadd.s32 v1, v4;
	_ =	sdelay $0x1  }
0x7a: {  	v3 =	vadd.s32 v1, v3;
	_ =	sdelay $0x1  }
0x7b: {  	s31 =	sor.u32 $0x4100, s22  }
0x7c: {  	[tilespmem:s31], [sflag:$0x5] =	stream.indirect_vreg.gather [hbm4b:s2+s5], $0x80, v4, vm0, $0x2000b8;
	[tilespmem:$0x10100] =	vst v63  }
0x7d: {  	s25 =	sor.u32 $0x4900, s22  }
0x7e: {  	[tilespmem:s25], [sflag:$0x5] =	stream.indirect_vreg.gather [hbm4b:s2+s5], $0x80, v3, vm0, $0x2000b8;
	[tilespmem:$0x10100] =	vst v63  }
0x7f: {  	v3 =	vld [tilespmem:s23+$0x50];
	_ =	sdelay $0x4  }
0x80: {  	v61 =	vshll.u32 v3, $0x1  }
0x81: {  	v3 =	vand.u32 $0x7, v3;
	v4 =	vand.u32 $0xFFFFFFF0, v61  }
0x82: {  	v3 =	vor.u32 v3, v4  }
0x83: {  	v4 =	vperm.xlane v3, v0;
	_ =	sdelay $0x1  }
0x84: {  	v3 =	vperm.xlane v3, v2;
	v4 =	vadd.s32 v1, v4;
	_ =	sdelay $0x1  }
0x85: {  	v3 =	vadd.s32 v1, v3;
	_ =	sdelay $0x1  }
0x86: {  	s26 =	sor.u32 $0x5100, s22  }
0x87: {  	[tilespmem:s26], [sflag:$0x5] =	stream.indirect_vreg.gather [hbm4b:s2+s5], $0x80, v4, vm0, $0x2000b8;
	[tilespmem:$0x10100] =	vst v63  }
0x88: {  	s28 =	sor.u32 $0x5900, s22  }
0x89: {  	[tilespmem:s28], [sflag:$0x5] =	stream.indirect_vreg.gather [hbm4b:s2+s5], $0x80, v3, vm0, $0x2000b8;
	[tilespmem:$0x10100] =	vst v63  }
0x8a: {  	v3 =	vld [tilespmem:s23+$0x60];
	_ =	sdelay $0x4  }
0x8b: {  	v62 =	vshll.u32 v3, $0x1  }
0x8c: {  	v3 =	vand.u32 $0x7, v3;
	v4 =	vand.u32 $0xFFFFFFF0, v62  }
0x8d: {  	v3 =	vor.u32 v3, v4  }
0x8e: {  	v4 =	vperm.xlane v3, v0;
	_ =	sdelay $0x1  }
0x8f: {  	v3 =	vperm.xlane v3, v2;
	v4 =	vadd.s32 v1, v4;
	_ =	sdelay $0x1  }
0x90: {  	v3 =	vadd.s32 v1, v3;
	_ =	sdelay $0x1  }
0x91: {  	s29 =	sor.u32 $0x6100, s22  }
0x92: {  	[tilespmem:s29], [sflag:$0x5] =	stream.indirect_vreg.gather [hbm4b:s2+s5], $0x80, v4, vm0, $0x2000b8;
	[tilespmem:$0x10100] =	vst v63  }
0x93: {  	s30 =	sor.u32 $0x6900, s22  }
0x94: {  	[tilespmem:s30], [sflag:$0x5] =	stream.indirect_vreg.gather [hbm4b:s2+s5], $0x80, v3, vm0, $0x2000b8;
	[tilespmem:$0x10100] =	vst v63  }
0x95: {  	v3 =	vld [tilespmem:s23+$0x70];
	_ =	sdelay $0x4  }
0x96: {  	v63 =	vshll.u32 v3, $0x1  }
0x97: {  	v3 =	vand.u32 $0x7, v3;
	v4 =	vand.u32 $0xFFFFFFF0, v63  }
0x98: {  	v3 =	vor.u32 v3, v4  }
0x99: {  	v4 =	vperm.xlane v3, v0;
	_ =	sdelay $0x1  }
0x9a: {  	v3 =	vperm.xlane v3, v2;
	v4 =	vadd.s32 v1, v4;
	_ =	sdelay $0x1  }
0x9b: {  	v3 =	vadd.s32 v1, v3;
	_ =	sdelay $0x1  }
0x9c: {  	p5 =	seq.s32 s19, s13;
	p6 =	por !p0, !p0;
	s31 =	sor.u32 $0x7100, s22  }
0x9d: {  	[tilespmem:s31], [sflag:$0x5] =	stream.indirect_vreg.gather [hbm4b:s2+s5], $0x80, v4, vm0, $0x2000b8;
	[tilespmem:$0x10100] =	vst v63  }
0x9e: {  	p4 =	por !p6, !p5;
	s22 =	sor.u32 $0x7900, s22  }
0x9f: {  	[tilespmem:s22], [sflag:$0x5] =	stream.indirect_vreg.gather [hbm4b:s2+s5], $0x80, v3, vm0, $0x2000b8;
	[tilespmem:$0x10100] =	vst v63  }
0xa0: {  	p4 =	por !p4, !p4;
	_ =	swait.ge [sflag:s9], $0x8000  }
0xa1: {  	p1 =	por p4, p1;
	[sflag:s9] =	ssyncset.done $0x0  }
.Ltmp2:
0xa2: {  	s18 =	sshll.u32 @!p4 s18, $0xC;
	[sflag:s9] =	ssyncadd.s32 $0xFFFF8000;
	(pc) =	sbr.rel @!p1 .LBB2_4-.Ltmp2, $4  }
0xa3: {  	s19 =	sadd.s32 @!p4 $0x3, s20;
	s18 =	sand.u32 @!p4 $0x1FFFF000, s18;
	_ =	strace $0x9000004B  }
0xa4: {  	s20 =	simm.s32 @!p4 $0x0;
	s18 =	sadd.s32 @!p4 s4, s18;
	_ =	strace @!p4 $0x8000004C  }
0xa5: {  	[hbm4b:s18+s20] =	stream.linear.scatter @!p4 [tilespmem:s21], [sflag:s19], $0x8000, $0x200038;
	[tilespmem:$0x10100] =	vst v63  }
0xa6: {  	_ =	strace @!p4 $0x9000004C  }
.Ltmp3:
0xa7: {  	s18 =	simm.s32 $0x1;
	p0 =	por p0, p2;
	(pc) =	sbr.rel .LBB2_2-.Ltmp3, $4  }
0xa8: {  	s19 =	simm.s32 $0x1;
	s12 =	sadd.s32 s16, s12;
	s18 =	simm.s32 @!p3 $0x0  }
0xa9: {  	s16 =	simm.s32 $0x1;
	s15 =	sadd.s32 s18, s15;
	s18 =	sadd.s32 @!p4 $0x1, s17  }
0xaa: {  	p1 =	por $0x0, $0x0;
	s19 =	simm.s32 @!p0 $0x0;
	s18 =	smov.u32 @p4 s17  }
0xab: {  	p0 =	por $0x1, $0x1;
	s14 =	sadd.s32 s19, s14;
	s17 =	smov.u32 s18  }
.LBB2_5:
0xac: {  	_ =	sfence.sel $0x180000  }
0xad: {  	[bflag:$0x0] =	sbarrier.arrive $0xFFFF  }
0xae: {  	p0 =	sne.s32 s0, $0x0;
	_ =	strace $0x90000047  }
0xaf: {  	s0 =	sadd.s32 @!p0 $0x100000, s3;
	[bflag:$0x2] =	sbarrier.arrive $0xFFFF  }
0xb0: {  	[sflag:s0] =	ssyncadd.tile.s32 @!p0 $0x1;
	_ =	shalt  }
.Lfunc_end2:
_tile_overlayer_lowered:
.L_overlay_start_2:
0xb1: {  	(tag) =	ssettag $0x2  }
0xb2: {  	s0 =	rddreg [dreg:$0x0];
	s2 =	stileid.u32  }
0xb3: {  	s1 =	rddreg [dreg:$0x1];
	p0 =	sne.s32 s2, $0x0  }
0xb4: {  	s3 =	rddreg [dreg:$0x2];
	[bflag:$0x3] =	sbarrier.arrive $0xFFFF;
	s2 =	simm.s32 @!p0 $0x1C01  }
0xb5: {  	[timem:s3], [sflag:s2] =	dma.local @!p0 [hbm:s0], s1  }
0xb6: {  	s0 =	simm.s32 @!p0 $0x1  }
0xb7: {  	_ =	swait.ge @!p0 [sflag:s0], s1  }
0xb8: {  	s1 =	ssub.s32 @!p0 $0x0, s1;
	[sflag:s0] =	ssyncset.done @!p0 $0x0  }
0xb9: {  	[sflag:s0] =	ssyncadd.s32 @!p0 s1  }
0xba: {  	[bflag:$0x3] =	sbarrier.arrive $0xFFFF  }
0xbb: {  	_ =	shalt  }

</sc_bundles>
